<compile_context>
chip_gen: v7x
topology: tpu7x:2x2x1
jax: 0.10.2.dev20260603
libtpu: 0.0.44.dev20260713+nightly
codegen_flags: <defaults>
</compile_context>

<pallas_src>
import functools

import jax
import jax.numpy as jnp
from jax import lax
from jax.experimental import pallas as pl
from jax.experimental.pallas import tpu as pltpu
from jax.experimental.pallas import tpu_sc as plsc

N = 6_400_000
NUM_GRAPHS = 100_000
ACC = 100_096
NW = 32
CHUNK = N // NW
C = 10_000
NSUB = CHUNK // C
S = C // 16
UNROLL = 5


def _sc_body(contrib_hbm, packed_hbm, refs_hbm, sv_hbm, sh_hbm,
             out_hbm, acc, cbuf, pbuf, refsv, svv, shv, sem):
    wid = lax.axis_index("s") * 2 + lax.axis_index("c")
    base = wid * CHUNK

    pltpu.sync_copy(refs_hbm, refsv)
    pltpu.sync_copy(sv_hbm, svv)
    pltpu.sync_copy(sh_hbm, shv)
    svec = svv[...]
    shvec = shv[...]
    lane = lax.broadcasted_iota(jnp.int32, (16,), 0)
    zf = jnp.zeros((16,), jnp.float32)

    def zero16(t, _):
        for u in range(16):
            acc[pl.ds(256 * t + 16 * u, 16)] = zf
        return 0
    lax.fori_loop(0, ACC // 256, zero16, 0)

    def sub_chunk(j, _):
        off = pl.multiple_of(base + j * C, 8)
        d1 = pltpu.async_copy(contrib_hbm.at[pl.ds(off, C)], cbuf, sem)
        d2 = pltpu.async_copy(packed_hbm.at[pl.ds(off, C)], pbuf, sem)
        d1.wait()
        d2.wait()

        def one_step(ix, run, gprev):
            p = plsc.load_gather(pbuf, [ix])
            c = plsc.load_gather(cbuf, [ix])
            gv = p >> 11
            rix = (p & 2047) + lane
            r = plsc.load_gather(refsv, [rix])
            v = c * svec + shvec + r
            m = gv != gprev
            plsc.addupdate_scatter(acc, [gprev], run, mask=m)
            run = jnp.where(m, 0.0, run) + v
            return ix + 1, run, gv

        def step(i, carry):
            ix, run, gprev = carry
            for _ in range(UNROLL):
                ix, run, gprev = one_step(ix, run, gprev)
            return ix, run, gprev

        ix0 = lane * S
        g0 = plsc.load_gather(pbuf, [ix0]) >> 11
        _, run, gprev = lax.fori_loop(0, S // UNROLL, step, (ix0, zf, g0))
        for l in range(16):
            plsc.addupdate_scatter(acc, [gprev], run, mask=lane == l)
        return 0
    lax.fori_loop(0, NSUB, sub_chunk, 0)

    row = wid * ACC
    ds = [pltpu.async_copy(acc.at[pl.ds(k * (ACC // 16), ACC // 16)],
                           out_hbm.at[pl.ds(row + k * (ACC // 16), ACC // 16)],
                           sem)
          for k in range(16)]
    for d in ds:
        d.wait()


def _tc_sum_body(x_ref, o_ref):
    o_ref[...] = jnp.sum(x_ref[...], axis=0)


def kernel(atomic_contributions, atoms, graph_indexes, scale, shift, atom_refs):
    contrib = atomic_contributions.reshape(-1).astype(jnp.float32)
    packed = (graph_indexes.reshape(-1).astype(jnp.int32) << 11) | (
        atoms.reshape(-1).astype(jnp.int32) << 4)
    refs_rep = jnp.tile(atom_refs.reshape(-1, 1).astype(jnp.float32),
                        (1, 16)).reshape(-1)
    sv = jnp.full((16,), scale, jnp.float32)
    sh = jnp.full((16,), shift, jnp.float32)

    mesh = plsc.VectorSubcoreMesh(core_axis_name="c", subcore_axis_name="s")
    sc = functools.partial(
        pl.kernel,
        mesh=mesh,
        compiler_params=pltpu.CompilerParams(needs_layout_passes=False),
        out_type=jax.ShapeDtypeStruct((NW * ACC,), jnp.float32),
        scratch_types=[
            pltpu.VMEM((ACC,), jnp.float32),
            pltpu.VMEM((C,), jnp.float32),
            pltpu.VMEM((C,), jnp.int32),
            pltpu.VMEM((1600,), jnp.float32),
            pltpu.VMEM((16,), jnp.float32),
            pltpu.VMEM((16,), jnp.float32),
            pltpu.SemaphoreType.DMA,
        ],
    )(_sc_body)
    partial_rows = sc(contrib, packed, refs_rep, sv, sh)

    summed = pl.pallas_call(
        _tc_sum_body,
        out_shape=jax.ShapeDtypeStruct((ACC // 128, 128), jnp.float32),
    )(partial_rows.reshape(NW, ACC // 128, 128))
    return summed.reshape(-1)[:NUM_GRAPHS].reshape(NUM_GRAPHS, 1)

# --- scband reference (transcript-rebuilt; emitter-appended) ---
"""Pipeline reference for scband-atomwise-post-processing-14663018348609 (READ-ONLY COPY).

The authoritative reference and input builder live on the scoring server;
editing this copy changes nothing except your own understanding.
"""

import jax, jax.numpy as jnp
import numpy as np

N = 6_400_000
NUM_ATOM_TYPES = 100
NUM_GRAPHS_MAX = 100_000
NUM_OUTPUTS = 1
MEAN = -0.5
STD = 2.0


def setup_inputs(seed: int = 0) -> dict:
    key = jax.random.key(seed)
    k1, k2, k3, k4 = jax.random.split(key, 4)
    atomic_contributions = jax.random.normal(k1, (N, NUM_OUTPUTS), dtype=jnp.float32)
    atoms = jax.random.randint(k2, (N,), 0, NUM_ATOM_TYPES)
    graph_indexes = jnp.sort(jax.random.randint(k3, (N,), 0, NUM_GRAPHS_MAX))
    atom_refs = jax.random.normal(k4, (NUM_ATOM_TYPES, NUM_OUTPUTS), dtype=jnp.float32)
    scale = jnp.asarray(STD, dtype=jnp.float32)
    shift = jnp.asarray(MEAN, dtype=jnp.float32)
    return {
        "atomic_contributions": atomic_contributions,
        "atoms": atoms,
        "graph_indexes": graph_indexes,
        "scale": scale,
        "shift": shift,
        "atom_refs": atom_refs,
    }


def reference(atomic_contributions, atoms, graph_indexes, scale, shift, atom_refs):
    # num_graphs = torch.unique(graph_indexes).shape[0]
    num_graphs = int(jnp.unique(graph_indexes, size=NUM_GRAPHS_MAX).shape[0])
    # atomic_contributions = atomic_contributions * self.scale + self.shift
    ac = atomic_contributions * scale + shift
    # atomic_contributions = atomic_contributions + self.atom_refs(atoms)  (embedding gather)
    ac = ac + jnp.take(atom_refs, atoms, axis=0)
    # output_per_graph.index_add_(dim=0, index=graph_indexes, source=atomic_contributions)
    output_per_graph = jnp.zeros((num_graphs, ac.shape[1]), dtype=jnp.float32).at[graph_indexes].add(ac)
    return output_per_graph

if __name__ == "__main__":
    import jax
    _d = setup_inputs()
    print(jax.jit(kernel)(*tuple(_d.values())))

</pallas_src>

<mosaic_0001>
#map = affine_map<(d0, d1) -> (0)>
module attributes {stable_mosaic.version = 14 : i64} {
  func.func @_sc_body(%arg0: i32, %arg1: i32, %arg2: memref<6400000xf32, #tpu.memory_space<hbm>>, %arg3: memref<6400000xi32, #tpu.memory_space<hbm>>, %arg4: memref<1600xf32, #tpu.memory_space<hbm>>, %arg5: memref<16xf32, #tpu.memory_space<hbm>>, %arg6: memref<16xf32, #tpu.memory_space<hbm>>, %arg7: memref<3203072xf32, #tpu.memory_space<hbm>>, %arg8: memref<100096xf32, #tpu.memory_space<vmem>>, %arg9: memref<10000xf32, #tpu.memory_space<vmem>>, %arg10: memref<10000xi32, #tpu.memory_space<vmem>>, %arg11: memref<1600xf32, #tpu.memory_space<vmem>>, %arg12: memref<16xf32, #tpu.memory_space<vmem>>, %arg13: memref<16xf32, #tpu.memory_space<vmem>>, %arg14: memref<!tpu.dma_semaphore, #tpu.memory_space<semaphore_mem>>) attributes {dimension_semantics = [#tpu.dimension_semantics<core_parallel>, #tpu.dimension_semantics<subcore_parallel>], iteration_bounds = array<i64: 2, 16>, scalar_prefetch = 0 : i64, scratch_operands = 7 : i64, tpu.core_type = #tpu.core_type<sc_vector_subcore>, window_params = [{transform_indices = #map}, {transform_indices = #map}, {transform_indices = #map}, {transform_indices = #map}, {transform_indices = #map}, {transform_indices = #map}]} {
    %mul3A = arith.constant 2 : i32
    %mul3A_0 = arith.muli %arg1, %mul3A : i32
    %add3A = arith.addi %mul3A_0, %arg0 : i32
    %mul3A_1 = arith.constant 200000 : i32
    %mul3A_2 = arith.muli %add3A, %mul3A_1 : i32
    "tpu.region"() ({
      %run_scoped3A = tpu.sem_alloc : memref<!tpu.dma_semaphore, #tpu.memory_space<semaphore_mem>>
      tpu.enqueue_dma source(%arg4 : memref<1600xf32, #tpu.memory_space<hbm>>) target(%arg11 : memref<1600xf32, #tpu.memory_space<vmem>>) target_semaphore(%run_scoped3A : memref<!tpu.dma_semaphore, #tpu.memory_space<semaphore_mem>>)
      tpu.wait_dma2 semaphore(%run_scoped3A : memref<!tpu.dma_semaphore, #tpu.memory_space<semaphore_mem>>) src(%arg4 : memref<1600xf32, #tpu.memory_space<hbm>>) dst(%arg11 : memref<1600xf32, #tpu.memory_space<vmem>>)
      tpu.yield
    }) : () -> ()
    "tpu.region"() ({
      %run_scoped3A = tpu.sem_alloc : memref<!tpu.dma_semaphore, #tpu.memory_space<semaphore_mem>>
      tpu.enqueue_dma source(%arg5 : memref<16xf32, #tpu.memory_space<hbm>>) target(%arg12 : memref<16xf32, #tpu.memory_space<vmem>>) target_semaphore(%run_scoped3A : memref<!tpu.dma_semaphore, #tpu.memory_space<semaphore_mem>>)
      tpu.wait_dma2 semaphore(%run_scoped3A : memref<!tpu.dma_semaphore, #tpu.memory_space<semaphore_mem>>) src(%arg5 : memref<16xf32, #tpu.memory_space<hbm>>) dst(%arg12 : memref<16xf32, #tpu.memory_space<vmem>>)
      tpu.yield
    }) : () -> ()
    "tpu.region"() ({
      %run_scoped3A = tpu.sem_alloc : memref<!tpu.dma_semaphore, #tpu.memory_space<semaphore_mem>>
      tpu.enqueue_dma source(%arg6 : memref<16xf32, #tpu.memory_space<hbm>>) target(%arg13 : memref<16xf32, #tpu.memory_space<vmem>>) target_semaphore(%run_scoped3A : memref<!tpu.dma_semaphore, #tpu.memory_space<semaphore_mem>>)
      tpu.wait_dma2 semaphore(%run_scoped3A : memref<!tpu.dma_semaphore, #tpu.memory_space<semaphore_mem>>) src(%arg6 : memref<16xf32, #tpu.memory_space<hbm>>) dst(%arg13 : memref<16xf32, #tpu.memory_space<vmem>>)
      tpu.yield
    }) : () -> ()
    %get3A = arith.constant 0 : index
    %get3A_3 = tpu.vector_load %arg12[%get3A] {strides = array<i32>} : memref<16xf32, #tpu.memory_space<vmem>>, vector<16xf32>,
    %get3A_4 = arith.constant 0 : index
    %get3A_5 = tpu.vector_load %arg13[%get3A_4] {strides = array<i32>} : memref<16xf32, #tpu.memory_space<vmem>>, vector<16xf32>,
    %iota3A = tpu.iota {dimensions = array<i32: 0>} : vector<16xi32>
    %broadcast_in_dim3A = arith.constant 0.000000e+00 : f32
    %broadcast_in_dim3A_6 = vector.broadcast %broadcast_in_dim3A : f32 to vector<16xf32>
    %scan3A = arith.constant 0 : i32
    %scan3A_7 = arith.constant 0 : i32
    %scan3A_8 = arith.constant 391 : i32
    %scan3A_9 = arith.addi %scan3A_7, %scan3A_8 : i32
    %scan3A_10 = arith.constant 1 : i32
    %scan3A_11 = scf.for %scan3A_244 = %scan3A_7 to %scan3A_9 step %scan3A_10 iter_args(%scan3A_245 = %scan3A) -> (i32)  : i32 {
      %mul3A_246 = arith.constant 256 : i32
      %mul3A_247 = arith.muli %mul3A_246, %scan3A_244 : i32
      %add3A_248 = arith.constant 0 : i32
      %add3A_249 = arith.addi %mul3A_247, %add3A_248 : i32
      %swap3A = arith.index_cast %add3A_249 : i32 to index
      %swap3A_250 = tpu.vector_load %arg8[%swap3A] {strides = array<i32>} : memref<100096xf32, #tpu.memory_space<vmem>>, vector<16xf32>,
      tpu.vector_store %arg8[%swap3A], %broadcast_in_dim3A_6 {strides = array<i32>} : memref<100096xf32, #tpu.memory_space<vmem>>, vector<16xf32>,
      %mul3A_251 = arith.constant 256 : i32
      %mul3A_252 = arith.muli %mul3A_251, %scan3A_244 : i32
      %add3A_253 = arith.constant 16 : i32
      %add3A_254 = arith.addi %mul3A_252, %add3A_253 : i32
      %swap3A_255 = arith.index_cast %add3A_254 : i32 to index
      %swap3A_256 = tpu.vector_load %arg8[%swap3A_255] {strides = array<i32>} : memref<100096xf32, #tpu.memory_space<vmem>>, vector<16xf32>,
      tpu.vector_store %arg8[%swap3A_255], %broadcast_in_dim3A_6 {strides = array<i32>} : memref<100096xf32, #tpu.memory_space<vmem>>, vector<16xf32>,
      %mul3A_257 = arith.constant 256 : i32
      %mul3A_258 = arith.muli %mul3A_257, %scan3A_244 : i32
      %add3A_259 = arith.constant 32 : i32
      %add3A_260 = arith.addi %mul3A_258, %add3A_259 : i32
      %swap3A_261 = arith.index_cast %add3A_260 : i32 to index
      %swap3A_262 = tpu.vector_load %arg8[%swap3A_261] {strides = array<i32>} : memref<100096xf32, #tpu.memory_space<vmem>>, vector<16xf32>,
      tpu.vector_store %arg8[%swap3A_261], %broadcast_in_dim3A_6 {strides = array<i32>} : memref<100096xf32, #tpu.memory_space<vmem>>, vector<16xf32>,
      %mul3A_263 = arith.constant 256 : i32
      %mul3A_264 = arith.muli %mul3A_263, %scan3A_244 : i32
      %add3A_265 = arith.constant 48 : i32
      %add3A_266 = arith.addi %mul3A_264, %add3A_265 : i32
      %swap3A_267 = arith.index_cast %add3A_266 : i32 to index
      %swap3A_268 = tpu.vector_load %arg8[%swap3A_267] {strides = array<i32>} : memref<100096xf32, #tpu.memory_space<vmem>>, vector<16xf32>,
      tpu.vector_store %arg8[%swap3A_267], %broadcast_in_dim3A_6 {strides = array<i32>} : memref<100096xf32, #tpu.memory_space<vmem>>, vector<16xf32>,
      %mul3A_269 = arith.constant 256 : i32
      %mul3A_270 = arith.muli %mul3A_269, %scan3A_244 : i32
      %add3A_271 = arith.constant 64 : i32
      %add3A_272 = arith.addi %mul3A_270, %add3A_271 : i32
      %swap3A_273 = arith.index_cast %add3A_272 : i32 to index
      %swap3A_274 = tpu.vector_load %arg8[%swap3A_273] {strides = array<i32>} : memref<100096xf32, #tpu.memory_space<vmem>>, vector<16xf32>,
      tpu.vector_store %arg8[%swap3A_273], %broadcast_in_dim3A_6 {strides = array<i32>} : memref<100096xf32, #tpu.memory_space<vmem>>, vector<16xf32>,
      %mul3A_275 = arith.constant 256 : i32
      %mul3A_276 = arith.muli %mul3A_275, %scan3A_244 : i32
      %add3A_277 = arith.constant 80 : i32
      %add3A_278 = arith.addi %mul3A_276, %add3A_277 : i32
      %swap3A_279 = arith.index_cast %add3A_278 : i32 to index
      %swap3A_280 = tpu.vector_load %arg8[%swap3A_279] {strides = array<i32>} : memref<100096xf32, #tpu.memory_space<vmem>>, vector<16xf32>,
      tpu.vector_store %arg8[%swap3A_279], %broadcast_in_dim3A_6 {strides = array<i32>} : memref<100096xf32, #tpu.memory_space<vmem>>, vector<16xf32>,
      %mul3A_281 = arith.constant 256 : i32
      %mul3A_282 = arith.muli %mul3A_281, %scan3A_244 : i32
      %add3A_283 = arith.constant 96 : i32
      %add3A_284 = arith.addi %mul3A_282, %add3A_283 : i32
      %swap3A_285 = arith.index_cast %add3A_284 : i32 to index
      %swap3A_286 = tpu.vector_load %arg8[%swap3A_285] {strides = array<i32>} : memref<100096xf32, #tpu.memory_space<vmem>>, vector<16xf32>,
      tpu.vector_store %arg8[%swap3A_285], %broadcast_in_dim3A_6 {strides = array<i32>} : memref<100096xf32, #tpu.memory_space<vmem>>, vector<16xf32>,
      %mul3A_287 = arith.constant 256 : i32
      %mul3A_288 = arith.muli %mul3A_287, %scan3A_244 : i32
      %add3A_289 = arith.constant 112 : i32
      %add3A_290 = arith.addi %mul3A_288, %add3A_289 : i32
      %swap3A_291 = arith.index_cast %add3A_290 : i32 to index
      %swap3A_292 = tpu.vector_load %arg8[%swap3A_291] {strides = array<i32>} : memref<100096xf32, #tpu.memory_space<vmem>>, vector<16xf32>,
      tpu.vector_store %arg8[%swap3A_291], %broadcast_in_dim3A_6 {strides = array<i32>} : memref<100096xf32, #tpu.memory_space<vmem>>, vector<16xf32>,
      %mul3A_293 = arith.constant 256 : i32
      %mul3A_294 = arith.muli %mul3A_293, %scan3A_244 : i32
      %add3A_295 = arith.constant 128 : i32
      %add3A_296 = arith.addi %mul3A_294, %add3A_295 : i32
      %swap3A_297 = arith.index_cast %add3A_296 : i32 to index
      %swap3A_298 = tpu.vector_load %arg8[%swap3A_297] {strides = array<i32>} : memref<100096xf32, #tpu.memory_space<vmem>>, vector<16xf32>,
      tpu.vector_store %arg8[%swap3A_297], %broadcast_in_dim3A_6 {strides = array<i32>} : memref<100096xf32, #tpu.memory_space<vmem>>, vector<16xf32>,
      %mul3A_299 = arith.constant 256 : i32
      %mul3A_300 = arith.muli %mul3A_299, %scan3A_244 : i32
      %add3A_301 = arith.constant 144 : i32
      %add3A_302 = arith.addi %mul3A_300, %add3A_301 : i32
      %swap3A_303 = arith.index_cast %add3A_302 : i32 to index
      %swap3A_304 = tpu.vector_load %arg8[%swap3A_303] {strides = array<i32>} : memref<100096xf32, #tpu.memory_space<vmem>>, vector<16xf32>,
      tpu.vector_store %arg8[%swap3A_303], %broadcast_in_dim3A_6 {strides = array<i32>} : memref<100096xf32, #tpu.memory_space<vmem>>, vector<16xf32>,
      %mul3A_305 = arith.constant 256 : i32
      %mul3A_306 = arith.muli %mul3A_305, %scan3A_244 : i32
      %add3A_307 = arith.constant 160 : i32
      %add3A_308 = arith.addi %mul3A_306, %add3A_307 : i32
      %swap3A_309 = arith.index_cast %add3A_308 : i32 to index
      %swap3A_310 = tpu.vector_load %arg8[%swap3A_309] {strides = array<i32>} : memref<100096xf32, #tpu.memory_space<vmem>>, vector<16xf32>,
      tpu.vector_store %arg8[%swap3A_309], %broadcast_in_dim3A_6 {strides = array<i32>} : memref<100096xf32, #tpu.memory_space<vmem>>, vector<16xf32>,
      %mul3A_311 = arith.constant 256 : i32
      %mul3A_312 = arith.muli %mul3A_311, %scan3A_244 : i32
      %add3A_313 = arith.constant 176 : i32
      %add3A_314 = arith.addi %mul3A_312, %add3A_313 : i32
      %swap3A_315 = arith.index_cast %add3A_314 : i32 to index
      %swap3A_316 = tpu.vector_load %arg8[%swap3A_315] {strides = array<i32>} : memref<100096xf32, #tpu.memory_space<vmem>>, vector<16xf32>,
      tpu.vector_store %arg8[%swap3A_315], %broadcast_in_dim3A_6 {strides = array<i32>} : memref<100096xf32, #tpu.memory_space<vmem>>, vector<16xf32>,
      %mul3A_317 = arith.constant 256 : i32
      %mul3A_318 = arith.muli %mul3A_317, %scan3A_244 : i32
      %add3A_319 = arith.constant 192 : i32
      %add3A_320 = arith.addi %mul3A_318, %add3A_319 : i32
      %swap3A_321 = arith.index_cast %add3A_320 : i32 to index
      %swap3A_322 = tpu.vector_load %arg8[%swap3A_321] {strides = array<i32>} : memref<100096xf32, #tpu.memory_space<vmem>>, vector<16xf32>,
      tpu.vector_store %arg8[%swap3A_321], %broadcast_in_dim3A_6 {strides = array<i32>} : memref<100096xf32, #tpu.memory_space<vmem>>, vector<16xf32>,
      %mul3A_323 = arith.constant 256 : i32
      %mul3A_324 = arith.muli %mul3A_323, %scan3A_244 : i32
      %add3A_325 = arith.constant 208 : i32
      %add3A_326 = arith.addi %mul3A_324, %add3A_325 : i32
      %swap3A_327 = arith.index_cast %add3A_326 : i32 to index
      %swap3A_328 = tpu.vector_load %arg8[%swap3A_327] {strides = array<i32>} : memref<100096xf32, #tpu.memory_space<vmem>>, vector<16xf32>,
      tpu.vector_store %arg8[%swap3A_327], %broadcast_in_dim3A_6 {strides = array<i32>} : memref<100096xf32, #tpu.memory_space<vmem>>, vector<16xf32>,
      %mul3A_329 = arith.constant 256 : i32
      %mul3A_330 = arith.muli %mul3A_329, %scan3A_244 : i32
      %add3A_331 = arith.constant 224 : i32
      %add3A_332 = arith.addi %mul3A_330, %add3A_331 : i32
      %swap3A_333 = arith.index_cast %add3A_332 : i32 to index
      %swap3A_334 = tpu.vector_load %arg8[%swap3A_333] {strides = array<i32>} : memref<100096xf32, #tpu.memory_space<vmem>>, vector<16xf32>,
      tpu.vector_store %arg8[%swap3A_333], %broadcast_in_dim3A_6 {strides = array<i32>} : memref<100096xf32, #tpu.memory_space<vmem>>, vector<16xf32>,
      %mul3A_335 = arith.constant 256 : i32
      %mul3A_336 = arith.muli %mul3A_335, %scan3A_244 : i32
      %add3A_337 = arith.constant 240 : i32
      %add3A_338 = arith.addi %mul3A_336, %add3A_337 : i32
      %swap3A_339 = arith.index_cast %add3A_338 : i32 to index
      %swap3A_340 = tpu.vector_load %arg8[%swap3A_339] {strides = array<i32>} : memref<100096xf32, #tpu.memory_space<vmem>>, vector<16xf32>,
      tpu.vector_store %arg8[%swap3A_339], %broadcast_in_dim3A_6 {strides = array<i32>} : memref<100096xf32, #tpu.memory_space<vmem>>, vector<16xf32>,
      %scan3A_341 = arith.constant 0 : i32
      scf.yield %scan3A_341 : i32
    }
    %scan3A_12 = arith.constant 391 : i32
    %scan3A_13 = arith.constant 0 : i32
    %scan3A_14 = arith.constant 0 : i32
    %scan3A_15 = arith.constant 20 : i32
    %scan3A_16 = arith.addi %scan3A_14, %scan3A_15 : i32
    %scan3A_17 = arith.constant 1 : i32
    %scan3A_18 = scf.for %scan3A_244 = %scan3A_14 to %scan3A_16 step %scan3A_17 iter_args(%scan3A_245 = %scan3A_13) -> (i32)  : i32 {
      %mul3A_246 = arith.constant 10000 : i32
      %mul3A_247 = arith.muli %scan3A_244, %mul3A_246 : i32
      %add3A_248 = arith.addi %mul3A_2, %mul3A_247 : i32
      %multiple_of3A = tpu.assume_multiple %add3A_248, 8 : i32
      %dma_start3A_249 = tpu.memref_slice %arg2[%multiple_of3A] : memref<6400000xf32, #tpu.memory_space<hbm>> -> memref<10000xf32, #tpu.memory_space<hbm>>
      %dma_start3A_250 = tpu.memref_slice %arg2[%multiple_of3A] : memref<6400000xf32, #tpu.memory_space<hbm>> -> memref<10000xf32, #tpu.memory_space<hbm>>
      tpu.enqueue_dma source(%dma_start3A_250 : memref<10000xf32, #tpu.memory_space<hbm>>) target(%arg9 : memref<10000xf32, #tpu.memory_space<vmem>>) target_semaphore(%arg14 : memref<!tpu.dma_semaphore, #tpu.memory_space<semaphore_mem>>)
      %dma_start3A_251 = tpu.memref_slice %arg3[%multiple_of3A] : memref<6400000xi32, #tpu.memory_space<hbm>> -> memref<10000xi32, #tpu.memory_space<hbm>>
      %dma_start3A_252 = tpu.memref_slice %arg3[%multiple_of3A] : memref<6400000xi32, #tpu.memory_space<hbm>> -> memref<10000xi32, #tpu.memory_space<hbm>>
      tpu.enqueue_dma source(%dma_start3A_252 : memref<10000xi32, #tpu.memory_space<hbm>>) target(%arg10 : memref<10000xi32, #tpu.memory_space<vmem>>) target_semaphore(%arg14 : memref<!tpu.dma_semaphore, #tpu.memory_space<semaphore_mem>>)
      %dma_wait3A_253 = tpu.memref_slice %arg2[%multiple_of3A] : memref<6400000xf32, #tpu.memory_space<hbm>> -> memref<10000xf32, #tpu.memory_space<hbm>>
      %dma_wait3A_254 = tpu.memref_slice %arg2[%multiple_of3A] : memref<6400000xf32, #tpu.memory_space<hbm>> -> memref<10000xf32, #tpu.memory_space<hbm>>
      tpu.wait_dma2 semaphore(%arg14 : memref<!tpu.dma_semaphore, #tpu.memory_space<semaphore_mem>>) src(%dma_wait3A_254 : memref<10000xf32, #tpu.memory_space<hbm>>) dst(%arg9 : memref<10000xf32, #tpu.memory_space<vmem>>)
      %dma_wait3A_255 = tpu.memref_slice %arg3[%multiple_of3A] : memref<6400000xi32, #tpu.memory_space<hbm>> -> memref<10000xi32, #tpu.memory_space<hbm>>
      %dma_wait3A_256 = tpu.memref_slice %arg3[%multiple_of3A] : memref<6400000xi32, #tpu.memory_space<hbm>> -> memref<10000xi32, #tpu.memory_space<hbm>>
      tpu.wait_dma2 semaphore(%arg14 : memref<!tpu.dma_semaphore, #tpu.memory_space<semaphore_mem>>) src(%dma_wait3A_256 : memref<10000xi32, #tpu.memory_space<hbm>>) dst(%arg10 : memref<10000xi32, #tpu.memory_space<vmem>>)
      %mul3A_257 = arith.constant 625 : i32
      %mul3A_258 = vector.broadcast %mul3A_257 : i32 to vector<16xi32>
      %mul3A_259 = arith.muli %iota3A, %mul3A_258 : vector<16xi32>
      %gather3A = tpu.vector_load_idx %arg10[%mul3A_259] : memref<10000xi32, #tpu.memory_space<vmem>>[vector<16xi32>], vector<16xi32>,
      %shift_right_arithmetic3A = arith.constant 11 : i32
      %shift_right_arithmetic3A_260 = vector.broadcast %shift_right_arithmetic3A : i32 to vector<16xi32>
      %shift_right_arithmetic3A_261 = arith.shrsi %gather3A, %shift_right_arithmetic3A_260 : vector<16xi32>
      %scan3A_262 = arith.constant 0 : i32
      %scan3A_263 = arith.constant 125 : i32
      %scan3A_264 = arith.addi %scan3A_262, %scan3A_263 : i32
      %scan3A_265 = arith.constant 1 : i32
      %scan3A_266:3 = scf.for %scan3A_316 = %scan3A_262 to %scan3A_264 step %scan3A_265 iter_args(%scan3A_317 = %mul3A_259, %scan3A_318 = %broadcast_in_dim3A_6, %scan3A_319 = %shift_right_arithmetic3A_261) -> (vector<16xi32>, vector<16xf32>, vector<16xi32>)  : i32 {
        %gather3A_320 = tpu.vector_load_idx %arg10[%scan3A_317] : memref<10000xi32, #tpu.memory_space<vmem>>[vector<16xi32>], vector<16xi32>,
        %gather3A_321 = tpu.vector_load_idx %arg9[%scan3A_317] : memref<10000xf32, #tpu.memory_space<vmem>>[vector<16xi32>], vector<16xf32>,
        %shift_right_arithmetic3A_322 = arith.constant 11 : i32
        %shift_right_arithmetic3A_323 = vector.broadcast %shift_right_arithmetic3A_322 : i32 to vector<16xi32>
        %shift_right_arithmetic3A_324 = arith.shrsi %gather3A_320, %shift_right_arithmetic3A_323 : vector<16xi32>
        %and3A = arith.constant 2047 : i32
        %and3A_325 = vector.broadcast %and3A : i32 to vector<16xi32>
        %and3A_326 = arith.andi %gather3A_320, %and3A_325 : vector<16xi32>
        %add3A_327 = arith.addi %and3A_326, %iota3A : vector<16xi32>
        %gather3A_328 = tpu.vector_load_idx %arg11[%add3A_327] : memref<1600xf32, #tpu.memory_space<vmem>>[vector<16xi32>], vector<16xf32>,
        %mul3A_329 = arith.mulf %gather3A_321, %get3A_3 : vector<16xf32>
        %add3A_330 = arith.addf %mul3A_329, %get3A_5 : vector<16xf32>
        %add3A_331 = arith.addf %add3A_330, %gather3A_328 : vector<16xf32>
        %ne3A = arith.cmpi ne, %shift_right_arithmetic3A_324, %scan3A_319 : vector<16xi32>
        tpu.vector_store_idx %arg8[%scan3A_319], %scan3A_318 masked %ne3A {add = true} : memref<100096xf32, #tpu.memory_space<vmem>>[vector<16xi32>], vector<16xf32>, vector<16xi1>
        %jit3A = arith.constant 0.000000e+00 : f32
        %broadcast_in_dim3A_332 = vector.broadcast %jit3A : f32 to vector<16xf32>
        %select_n3A = arith.select %ne3A, %broadcast_in_dim3A_332, %scan3A_318 : vector<16xi1>, vector<16xf32>
        %add3A_333 = arith.addf %select_n3A, %add3A_331 : vector<16xf32>
        %add3A_334 = arith.constant 1 : i32
        %add3A_335 = vector.broadcast %add3A_334 : i32 to vector<16xi32>
        %add3A_336 = arith.addi %scan3A_317, %add3A_335 : vector<16xi32>
        %gather3A_337 = tpu.vector_load_idx %arg10[%add3A_336] : memref<10000xi32, #tpu.memory_space<vmem>>[vector<16xi32>], vector<16xi32>,
        %gather3A_338 = tpu.vector_load_idx %arg9[%add3A_336] : memref<10000xf32, #tpu.memory_space<vmem>>[vector<16xi32>], vector<16xf32>,
        %shift_right_arithmetic3A_339 = arith.constant 11 : i32
        %shift_right_arithmetic3A_340 = vector.broadcast %shift_right_arithmetic3A_339 : i32 to vector<16xi32>
        %shift_right_arithmetic3A_341 = arith.shrsi %gather3A_337, %shift_right_arithmetic3A_340 : vector<16xi32>
        %and3A_342 = arith.constant 2047 : i32
        %and3A_343 = vector.broadcast %and3A_342 : i32 to vector<16xi32>
        %and3A_344 = arith.andi %gather3A_337, %and3A_343 : vector<16xi32>
        %add3A_345 = arith.addi %and3A_344, %iota3A : vector<16xi32>
        %gather3A_346 = tpu.vector_load_idx %arg11[%add3A_345] : memref<1600xf32, #tpu.memory_space<vmem>>[vector<16xi32>], vector<16xf32>,
        %mul3A_347 = arith.mulf %gather3A_338, %get3A_3 : vector<16xf32>
        %add3A_348 = arith.addf %mul3A_347, %get3A_5 : vector<16xf32>
        %add3A_349 = arith.addf %add3A_348, %gather3A_346 : vector<16xf32>
        %ne3A_350 = arith.cmpi ne, %shift_right_arithmetic3A_341, %shift_right_arithmetic3A_324 : vector<16xi32>
        tpu.vector_store_idx %arg8[%shift_right_arithmetic3A_324], %add3A_333 masked %ne3A_350 {add = true} : memref<100096xf32, #tpu.memory_space<vmem>>[vector<16xi32>], vector<16xf32>, vector<16xi1>
        %jit3A_351 = arith.constant 0.000000e+00 : f32
        %broadcast_in_dim3A_352 = vector.broadcast %jit3A_351 : f32 to vector<16xf32>
        %select_n3A_353 = arith.select %ne3A_350, %broadcast_in_dim3A_352, %add3A_333 : vector<16xi1>, vector<16xf32>
        %add3A_354 = arith.addf %select_n3A_353, %add3A_349 : vector<16xf32>
        %add3A_355 = arith.constant 1 : i32
        %add3A_356 = vector.broadcast %add3A_355 : i32 to vector<16xi32>
        %add3A_357 = arith.addi %add3A_336, %add3A_356 : vector<16xi32>
        %gather3A_358 = tpu.vector_load_idx %arg10[%add3A_357] : memref<10000xi32, #tpu.memory_space<vmem>>[vector<16xi32>], vector<16xi32>,
        %gather3A_359 = tpu.vector_load_idx %arg9[%add3A_357] : memref<10000xf32, #tpu.memory_space<vmem>>[vector<16xi32>], vector<16xf32>,
        %shift_right_arithmetic3A_360 = arith.constant 11 : i32
        %shift_right_arithmetic3A_361 = vector.broadcast %shift_right_arithmetic3A_360 : i32 to vector<16xi32>
        %shift_right_arithmetic3A_362 = arith.shrsi %gather3A_358, %shift_right_arithmetic3A_361 : vector<16xi32>
        %and3A_363 = arith.constant 2047 : i32
        %and3A_364 = vector.broadcast %and3A_363 : i32 to vector<16xi32>
        %and3A_365 = arith.andi %gather3A_358, %and3A_364 : vector<16xi32>
        %add3A_366 = arith.addi %and3A_365, %iota3A : vector<16xi32>
        %gather3A_367 = tpu.vector_load_idx %arg11[%add3A_366] : memref<1600xf32, #tpu.memory_space<vmem>>[vector<16xi32>], vector<16xf32>,
        %mul3A_368 = arith.mulf %gather3A_359, %get3A_3 : vector<16xf32>
        %add3A_369 = arith.addf %mul3A_368, %get3A_5 : vector<16xf32>
        %add3A_370 = arith.addf %add3A_369, %gather3A_367 : vector<16xf32>
        %ne3A_371 = arith.cmpi ne, %shift_right_arithmetic3A_362, %shift_right_arithmetic3A_341 : vector<16xi32>
        tpu.vector_store_idx %arg8[%shift_right_arithmetic3A_341], %add3A_354 masked %ne3A_371 {add = true} : memref<100096xf32, #tpu.memory_space<vmem>>[vector<16xi32>], vector<16xf32>, vector<16xi1>
        %jit3A_372 = arith.constant 0.000000e+00 : f32
        %broadcast_in_dim3A_373 = vector.broadcast %jit3A_372 : f32 to vector<16xf32>
        %select_n3A_374 = arith.select %ne3A_371, %broadcast_in_dim3A_373, %add3A_354 : vector<16xi1>, vector<16xf32>
        %add3A_375 = arith.addf %select_n3A_374, %add3A_370 : vector<16xf32>
        %add3A_376 = arith.constant 1 : i32
        %add3A_377 = vector.broadcast %add3A_376 : i32 to vector<16xi32>
        %add3A_378 = arith.addi %add3A_357, %add3A_377 : vector<16xi32>
        %gather3A_379 = tpu.vector_load_idx %arg10[%add3A_378] : memref<10000xi32, #tpu.memory_space<vmem>>[vector<16xi32>], vector<16xi32>,
        %gather3A_380 = tpu.vector_load_idx %arg9[%add3A_378] : memref<10000xf32, #tpu.memory_space<vmem>>[vector<16xi32>], vector<16xf32>,
        %shift_right_arithmetic3A_381 = arith.constant 11 : i32
        %shift_right_arithmetic3A_382 = vector.broadcast %shift_right_arithmetic3A_381 : i32 to vector<16xi32>
        %shift_right_arithmetic3A_383 = arith.shrsi %gather3A_379, %shift_right_arithmetic3A_382 : vector<16xi32>
        %and3A_384 = arith.constant 2047 : i32
        %and3A_385 = vector.broadcast %and3A_384 : i32 to vector<16xi32>
        %and3A_386 = arith.andi %gather3A_379, %and3A_385 : vector<16xi32>
        %add3A_387 = arith.addi %and3A_386, %iota3A : vector<16xi32>
        %gather3A_388 = tpu.vector_load_idx %arg11[%add3A_387] : memref<1600xf32, #tpu.memory_space<vmem>>[vector<16xi32>], vector<16xf32>,
        %mul3A_389 = arith.mulf %gather3A_380, %get3A_3 : vector<16xf32>
        %add3A_390 = arith.addf %mul3A_389, %get3A_5 : vector<16xf32>
        %add3A_391 = arith.addf %add3A_390, %gather3A_388 : vector<16xf32>
        %ne3A_392 = arith.cmpi ne, %shift_right_arithmetic3A_383, %shift_right_arithmetic3A_362 : vector<16xi32>
        tpu.vector_store_idx %arg8[%shift_right_arithmetic3A_362], %add3A_375 masked %ne3A_392 {add = true} : memref<100096xf32, #tpu.memory_space<vmem>>[vector<16xi32>], vector<16xf32>, vector<16xi1>
        %jit3A_393 = arith.constant 0.000000e+00 : f32
        %broadcast_in_dim3A_394 = vector.broadcast %jit3A_393 : f32 to vector<16xf32>
        %select_n3A_395 = arith.select %ne3A_392, %broadcast_in_dim3A_394, %add3A_375 : vector<16xi1>, vector<16xf32>
        %add3A_396 = arith.addf %select_n3A_395, %add3A_391 : vector<16xf32>
        %add3A_397 = arith.constant 1 : i32
        %add3A_398 = vector.broadcast %add3A_397 : i32 to vector<16xi32>
        %add3A_399 = arith.addi %add3A_378, %add3A_398 : vector<16xi32>
        %gather3A_400 = tpu.vector_load_idx %arg10[%add3A_399] : memref<10000xi32, #tpu.memory_space<vmem>>[vector<16xi32>], vector<16xi32>,
        %gather3A_401 = tpu.vector_load_idx %arg9[%add3A_399] : memref<10000xf32, #tpu.memory_space<vmem>>[vector<16xi32>], vector<16xf32>,
        %shift_right_arithmetic3A_402 = arith.constant 11 : i32
        %shift_right_arithmetic3A_403 = vector.broadcast %shift_right_arithmetic3A_402 : i32 to vector<16xi32>
        %shift_right_arithmetic3A_404 = arith.shrsi %gather3A_400, %shift_right_arithmetic3A_403 : vector<16xi32>
        %and3A_405 = arith.constant 2047 : i32
        %and3A_406 = vector.broadcast %and3A_405 : i32 to vector<16xi32>
        %and3A_407 = arith.andi %gather3A_400, %and3A_406 : vector<16xi32>
        %add3A_408 = arith.addi %and3A_407, %iota3A : vector<16xi32>
        %gather3A_409 = tpu.vector_load_idx %arg11[%add3A_408] : memref<1600xf32, #tpu.memory_space<vmem>>[vector<16xi32>], vector<16xf32>,
        %mul3A_410 = arith.mulf %gather3A_401, %get3A_3 : vector<16xf32>
        %add3A_411 = arith.addf %mul3A_410, %get3A_5 : vector<16xf32>
        %add3A_412 = arith.addf %add3A_411, %gather3A_409 : vector<16xf32>
        %ne3A_413 = arith.cmpi ne, %shift_right_arithmetic3A_404, %shift_right_arithmetic3A_383 : vector<16xi32>
        tpu.vector_store_idx %arg8[%shift_right_arithmetic3A_383], %add3A_396 masked %ne3A_413 {add = true} : memref<100096xf32, #tpu.memory_space<vmem>>[vector<16xi32>], vector<16xf32>, vector<16xi1>
        %jit3A_414 = arith.constant 0.000000e+00 : f32
        %broadcast_in_dim3A_415 = vector.broadcast %jit3A_414 : f32 to vector<16xf32>
        %select_n3A_416 = arith.select %ne3A_413, %broadcast_in_dim3A_415, %add3A_396 : vector<16xi1>, vector<16xf32>
        %add3A_417 = arith.addf %select_n3A_416, %add3A_412 : vector<16xf32>
        %add3A_418 = arith.constant 1 : i32
        %add3A_419 = vector.broadcast %add3A_418 : i32 to vector<16xi32>
        %add3A_420 = arith.addi %add3A_399, %add3A_419 : vector<16xi32>
        scf.yield %add3A_420, %add3A_417, %shift_right_arithmetic3A_404 : vector<16xi32>, vector<16xf32>, vector<16xi32>
      }
      %scan3A_267 = arith.constant 125 : i32
      %eq3A = arith.constant 0 : i32
      %eq3A_268 = vector.broadcast %eq3A : i32 to vector<16xi32>
      %eq3A_269 = arith.cmpi eq, %iota3A, %eq3A_268 : vector<16xi32>
      tpu.vector_store_idx %arg8[%scan3A_266#2], %scan3A_266#1 masked %eq3A_269 {add = true} : memref<100096xf32, #tpu.memory_space<vmem>>[vector<16xi32>], vector<16xf32>, vector<16xi1>
      %eq3A_270 = arith.constant 1 : i32
      %eq3A_271 = vector.broadcast %eq3A_270 : i32 to vector<16xi32>
      %eq3A_272 = arith.cmpi eq, %iota3A, %eq3A_271 : vector<16xi32>
      tpu.vector_store_idx %arg8[%scan3A_266#2], %scan3A_266#1 masked %eq3A_272 {add = true} : memref<100096xf32, #tpu.memory_space<vmem>>[vector<16xi32>], vector<16xf32>, vector<16xi1>
      %eq3A_273 = arith.constant 2 : i32
      %eq3A_274 = vector.broadcast %eq3A_273 : i32 to vector<16xi32>
      %eq3A_275 = arith.cmpi eq, %iota3A, %eq3A_274 : vector<16xi32>
      tpu.vector_store_idx %arg8[%scan3A_266#2], %scan3A_266#1 masked %eq3A_275 {add = true} : memref<100096xf32, #tpu.memory_space<vmem>>[vector<16xi32>], vector<16xf32>, vector<16xi1>
      %eq3A_276 = arith.constant 3 : i32
      %eq3A_277 = vector.broadcast %eq3A_276 : i32 to vector<16xi32>
      %eq3A_278 = arith.cmpi eq, %iota3A, %eq3A_277 : vector<16xi32>
      tpu.vector_store_idx %arg8[%scan3A_266#2], %scan3A_266#1 masked %eq3A_278 {add = true} : memref<100096xf32, #tpu.memory_space<vmem>>[vector<16xi32>], vector<16xf32>, vector<16xi1>
      %eq3A_279 = arith.constant 4 : i32
      %eq3A_280 = vector.broadcast %eq3A_279 : i32 to vector<16xi32>
      %eq3A_281 = arith.cmpi eq, %iota3A, %eq3A_280 : vector<16xi32>
      tpu.vector_store_idx %arg8[%scan3A_266#2], %scan3A_266#1 masked %eq3A_281 {add = true} : memref<100096xf32, #tpu.memory_space<vmem>>[vector<16xi32>], vector<16xf32>, vector<16xi1>
      %eq3A_282 = arith.constant 5 : i32
      %eq3A_283 = vector.broadcast %eq3A_282 : i32 to vector<16xi32>
      %eq3A_284 = arith.cmpi eq, %iota3A, %eq3A_283 : vector<16xi32>
      tpu.vector_store_idx %arg8[%scan3A_266#2], %scan3A_266#1 masked %eq3A_284 {add = true} : memref<100096xf32, #tpu.memory_space<vmem>>[vector<16xi32>], vector<16xf32>, vector<16xi1>
      %eq3A_285 = arith.constant 6 : i32
      %eq3A_286 = vector.broadcast %eq3A_285 : i32 to vector<16xi32>
      %eq3A_287 = arith.cmpi eq, %iota3A, %eq3A_286 : vector<16xi32>
      tpu.vector_store_idx %arg8[%scan3A_266#2], %scan3A_266#1 masked %eq3A_287 {add = true} : memref<100096xf32, #tpu.memory_space<vmem>>[vector<16xi32>], vector<16xf32>, vector<16xi1>
      %eq3A_288 = arith.constant 7 : i32
      %eq3A_289 = vector.broadcast %eq3A_288 : i32 to vector<16xi32>
      %eq3A_290 = arith.cmpi eq, %iota3A, %eq3A_289 : vector<16xi32>
      tpu.vector_store_idx %arg8[%scan3A_266#2], %scan3A_266#1 masked %eq3A_290 {add = true} : memref<100096xf32, #tpu.memory_space<vmem>>[vector<16xi32>], vector<16xf32>, vector<16xi1>
      %eq3A_291 = arith.constant 8 : i32
      %eq3A_292 = vector.broadcast %eq3A_291 : i32 to vector<16xi32>
      %eq3A_293 = arith.cmpi eq, %iota3A, %eq3A_292 : vector<16xi32>
      tpu.vector_store_idx %arg8[%scan3A_266#2], %scan3A_266#1 masked %eq3A_293 {add = true} : memref<100096xf32, #tpu.memory_space<vmem>>[vector<16xi32>], vector<16xf32>, vector<16xi1>
      %eq3A_294 = arith.constant 9 : i32
      %eq3A_295 = vector.broadcast %eq3A_294 : i32 to vector<16xi32>
      %eq3A_296 = arith.cmpi eq, %iota3A, %eq3A_295 : vector<16xi32>
      tpu.vector_store_idx %arg8[%scan3A_266#2], %scan3A_266#1 masked %eq3A_296 {add = true} : memref<100096xf32, #tpu.memory_space<vmem>>[vector<16xi32>], vector<16xf32>, vector<16xi1>
      %eq3A_297 = arith.constant 10 : i32
      %eq3A_298 = vector.broadcast %eq3A_297 : i32 to vector<16xi32>
      %eq3A_299 = arith.cmpi eq, %iota3A, %eq3A_298 : vector<16xi32>
      tpu.vector_store_idx %arg8[%scan3A_266#2], %scan3A_266#1 masked %eq3A_299 {add = true} : memref<100096xf32, #tpu.memory_space<vmem>>[vector<16xi32>], vector<16xf32>, vector<16xi1>
      %eq3A_300 = arith.constant 11 : i32
      %eq3A_301 = vector.broadcast %eq3A_300 : i32 to vector<16xi32>
      %eq3A_302 = arith.cmpi eq, %iota3A, %eq3A_301 : vector<16xi32>
      tpu.vector_store_idx %arg8[%scan3A_266#2], %scan3A_266#1 masked %eq3A_302 {add = true} : memref<100096xf32, #tpu.memory_space<vmem>>[vector<16xi32>], vector<16xf32>, vector<16xi1>
      %eq3A_303 = arith.constant 12 : i32
      %eq3A_304 = vector.broadcast %eq3A_303 : i32 to vector<16xi32>
      %eq3A_305 = arith.cmpi eq, %iota3A, %eq3A_304 : vector<16xi32>
      tpu.vector_store_idx %arg8[%scan3A_266#2], %scan3A_266#1 masked %eq3A_305 {add = true} : memref<100096xf32, #tpu.memory_space<vmem>>[vector<16xi32>], vector<16xf32>, vector<16xi1>
      %eq3A_306 = arith.constant 13 : i32
      %eq3A_307 = vector.broadcast %eq3A_306 : i32 to vector<16xi32>
      %eq3A_308 = arith.cmpi eq, %iota3A, %eq3A_307 : vector<16xi32>
      tpu.vector_store_idx %arg8[%scan3A_266#2], %scan3A_266#1 masked %eq3A_308 {add = true} : memref<100096xf32, #tpu.memory_space<vmem>>[vector<16xi32>], vector<16xf32>, vector<16xi1>
      %eq3A_309 = arith.constant 14 : i32
      %eq3A_310 = vector.broadcast %eq3A_309 : i32 to vector<16xi32>
      %eq3A_311 = arith.cmpi eq, %iota3A, %eq3A_310 : vector<16xi32>
      tpu.vector_store_idx %arg8[%scan3A_266#2], %scan3A_266#1 masked %eq3A_311 {add = true} : memref<100096xf32, #tpu.memory_space<vmem>>[vector<16xi32>], vector<16xf32>, vector<16xi1>
      %eq3A_312 = arith.constant 15 : i32
      %eq3A_313 = vector.broadcast %eq3A_312 : i32 to vector<16xi32>
      %eq3A_314 = arith.cmpi eq, %iota3A, %eq3A_313 : vector<16xi32>
      tpu.vector_store_idx %arg8[%scan3A_266#2], %scan3A_266#1 masked %eq3A_314 {add = true} : memref<100096xf32, #tpu.memory_space<vmem>>[vector<16xi32>], vector<16xf32>, vector<16xi1>
      %scan3A_315 = arith.constant 0 : i32
      scf.yield %scan3A_315 : i32
    }
    %scan3A_19 = arith.constant 20 : i32
    %mul3A_20 = arith.constant 100096 : i32
    %mul3A_21 = arith.muli %add3A, %mul3A_20 : i32
    %add3A_22 = arith.constant 0 : i32
    %add3A_23 = arith.addi %mul3A_21, %add3A_22 : i32
    %dma_start3A = arith.constant 0 : i32
    %dma_start3A_24 = tpu.memref_slice %arg8[%dma_start3A] : memref<100096xf32, #tpu.memory_space<vmem>> -> memref<6256xf32, #tpu.memory_space<vmem>>
    %dma_start3A_25 = tpu.memref_slice %arg7[%add3A_23] : memref<3203072xf32, #tpu.memory_space<hbm>> -> memref<6256xf32, #tpu.memory_space<hbm>>
    %dma_start3A_26 = tpu.memref_slice %arg7[%add3A_23] : memref<3203072xf32, #tpu.memory_space<hbm>> -> memref<6256xf32, #tpu.memory_space<hbm>>
    %dma_start3A_27 = arith.constant 0 : i32
    %dma_start3A_28 = tpu.memref_slice %arg8[%dma_start3A_27] : memref<100096xf32, #tpu.memory_space<vmem>> -> memref<6256xf32, #tpu.memory_space<vmem>>
    tpu.enqueue_dma source(%dma_start3A_28 : memref<6256xf32, #tpu.memory_space<vmem>>) target(%dma_start3A_26 : memref<6256xf32, #tpu.memory_space<hbm>>) target_semaphore(%arg14 : memref<!tpu.dma_semaphore, #tpu.memory_space<semaphore_mem>>)
    %add3A_29 = arith.constant 6256 : i32
    %add3A_30 = arith.addi %mul3A_21, %add3A_29 : i32
    %dma_start3A_31 = arith.constant 6256 : i32
    %dma_start3A_32 = tpu.memref_slice %arg8[%dma_start3A_31] : memref<100096xf32, #tpu.memory_space<vmem>> -> memref<6256xf32, #tpu.memory_space<vmem>>
    %dma_start3A_33 = tpu.memref_slice %arg7[%add3A_30] : memref<3203072xf32, #tpu.memory_space<hbm>> -> memref<6256xf32, #tpu.memory_space<hbm>>
    %dma_start3A_34 = tpu.memref_slice %arg7[%add3A_30] : memref<3203072xf32, #tpu.memory_space<hbm>> -> memref<6256xf32, #tpu.memory_space<hbm>>
    %dma_start3A_35 = arith.constant 6256 : i32
    %dma_start3A_36 = tpu.memref_slice %arg8[%dma_start3A_35] : memref<100096xf32, #tpu.memory_space<vmem>> -> memref<6256xf32, #tpu.memory_space<vmem>>
    tpu.enqueue_dma source(%dma_start3A_36 : memref<6256xf32, #tpu.memory_space<vmem>>) target(%dma_start3A_34 : memref<6256xf32, #tpu.memory_space<hbm>>) target_semaphore(%arg14 : memref<!tpu.dma_semaphore, #tpu.memory_space<semaphore_mem>>)
    %add3A_37 = arith.constant 12512 : i32
    %add3A_38 = arith.addi %mul3A_21, %add3A_37 : i32
    %dma_start3A_39 = arith.constant 12512 : i32
    %dma_start3A_40 = tpu.memref_slice %arg8[%dma_start3A_39] : memref<100096xf32, #tpu.memory_space<vmem>> -> memref<6256xf32, #tpu.memory_space<vmem>>
    %dma_start3A_41 = tpu.memref_slice %arg7[%add3A_38] : memref<3203072xf32, #tpu.memory_space<hbm>> -> memref<6256xf32, #tpu.memory_space<hbm>>
    %dma_start3A_42 = tpu.memref_slice %arg7[%add3A_38] : memref<3203072xf32, #tpu.memory_space<hbm>> -> memref<6256xf32, #tpu.memory_space<hbm>>
    %dma_start3A_43 = arith.constant 12512 : i32
    %dma_start3A_44 = tpu.memref_slice %arg8[%dma_start3A_43] : memref<100096xf32, #tpu.memory_space<vmem>> -> memref<6256xf32, #tpu.memory_space<vmem>>
    tpu.enqueue_dma source(%dma_start3A_44 : memref<6256xf32, #tpu.memory_space<vmem>>) target(%dma_start3A_42 : memref<6256xf32, #tpu.memory_space<hbm>>) target_semaphore(%arg14 : memref<!tpu.dma_semaphore, #tpu.memory_space<semaphore_mem>>)
    %add3A_45 = arith.constant 18768 : i32
    %add3A_46 = arith.addi %mul3A_21, %add3A_45 : i32
    %dma_start3A_47 = arith.constant 18768 : i32
    %dma_start3A_48 = tpu.memref_slice %arg8[%dma_start3A_47] : memref<100096xf32, #tpu.memory_space<vmem>> -> memref<6256xf32, #tpu.memory_space<vmem>>
    %dma_start3A_49 = tpu.memref_slice %arg7[%add3A_46] : memref<3203072xf32, #tpu.memory_space<hbm>> -> memref<6256xf32, #tpu.memory_space<hbm>>
    %dma_start3A_50 = tpu.memref_slice %arg7[%add3A_46] : memref<3203072xf32, #tpu.memory_space<hbm>> -> memref<6256xf32, #tpu.memory_space<hbm>>
    %dma_start3A_51 = arith.constant 18768 : i32
    %dma_start3A_52 = tpu.memref_slice %arg8[%dma_start3A_51] : memref<100096xf32, #tpu.memory_space<vmem>> -> memref<6256xf32, #tpu.memory_space<vmem>>
    tpu.enqueue_dma source(%dma_start3A_52 : memref<6256xf32, #tpu.memory_space<vmem>>) target(%dma_start3A_50 : memref<6256xf32, #tpu.memory_space<hbm>>) target_semaphore(%arg14 : memref<!tpu.dma_semaphore, #tpu.memory_space<semaphore_mem>>)
    %add3A_53 = arith.constant 25024 : i32
    %add3A_54 = arith.addi %mul3A_21, %add3A_53 : i32
    %dma_start3A_55 = arith.constant 25024 : i32
    %dma_start3A_56 = tpu.memref_slice %arg8[%dma_start3A_55] : memref<100096xf32, #tpu.memory_space<vmem>> -> memref<6256xf32, #tpu.memory_space<vmem>>
    %dma_start3A_57 = tpu.memref_slice %arg7[%add3A_54] : memref<3203072xf32, #tpu.memory_space<hbm>> -> memref<6256xf32, #tpu.memory_space<hbm>>
    %dma_start3A_58 = tpu.memref_slice %arg7[%add3A_54] : memref<3203072xf32, #tpu.memory_space<hbm>> -> memref<6256xf32, #tpu.memory_space<hbm>>
    %dma_start3A_59 = arith.constant 25024 : i32
    %dma_start3A_60 = tpu.memref_slice %arg8[%dma_start3A_59] : memref<100096xf32, #tpu.memory_space<vmem>> -> memref<6256xf32, #tpu.memory_space<vmem>>
    tpu.enqueue_dma source(%dma_start3A_60 : memref<6256xf32, #tpu.memory_space<vmem>>) target(%dma_start3A_58 : memref<6256xf32, #tpu.memory_space<hbm>>) target_semaphore(%arg14 : memref<!tpu.dma_semaphore, #tpu.memory_space<semaphore_mem>>)
    %add3A_61 = arith.constant 31280 : i32
    %add3A_62 = arith.addi %mul3A_21, %add3A_61 : i32
    %dma_start3A_63 = arith.constant 31280 : i32
    %dma_start3A_64 = tpu.memref_slice %arg8[%dma_start3A_63] : memref<100096xf32, #tpu.memory_space<vmem>> -> memref<6256xf32, #tpu.memory_space<vmem>>
    %dma_start3A_65 = tpu.memref_slice %arg7[%add3A_62] : memref<3203072xf32, #tpu.memory_space<hbm>> -> memref<6256xf32, #tpu.memory_space<hbm>>
    %dma_start3A_66 = tpu.memref_slice %arg7[%add3A_62] : memref<3203072xf32, #tpu.memory_space<hbm>> -> memref<6256xf32, #tpu.memory_space<hbm>>
    %dma_start3A_67 = arith.constant 31280 : i32
    %dma_start3A_68 = tpu.memref_slice %arg8[%dma_start3A_67] : memref<100096xf32, #tpu.memory_space<vmem>> -> memref<6256xf32, #tpu.memory_space<vmem>>
    tpu.enqueue_dma source(%dma_start3A_68 : memref<6256xf32, #tpu.memory_space<vmem>>) target(%dma_start3A_66 : memref<6256xf32, #tpu.memory_space<hbm>>) target_semaphore(%arg14 : memref<!tpu.dma_semaphore, #tpu.memory_space<semaphore_mem>>)
    %add3A_69 = arith.constant 37536 : i32
    %add3A_70 = arith.addi %mul3A_21, %add3A_69 : i32
    %dma_start3A_71 = arith.constant 37536 : i32
    %dma_start3A_72 = tpu.memref_slice %arg8[%dma_start3A_71] : memref<100096xf32, #tpu.memory_space<vmem>> -> memref<6256xf32, #tpu.memory_space<vmem>>
    %dma_start3A_73 = tpu.memref_slice %arg7[%add3A_70] : memref<3203072xf32, #tpu.memory_space<hbm>> -> memref<6256xf32, #tpu.memory_space<hbm>>
    %dma_start3A_74 = tpu.memref_slice %arg7[%add3A_70] : memref<3203072xf32, #tpu.memory_space<hbm>> -> memref<6256xf32, #tpu.memory_space<hbm>>
    %dma_start3A_75 = arith.constant 37536 : i32
    %dma_start3A_76 = tpu.memref_slice %arg8[%dma_start3A_75] : memref<100096xf32, #tpu.memory_space<vmem>> -> memref<6256xf32, #tpu.memory_space<vmem>>
    tpu.enqueue_dma source(%dma_start3A_76 : memref<6256xf32, #tpu.memory_space<vmem>>) target(%dma_start3A_74 : memref<6256xf32, #tpu.memory_space<hbm>>) target_semaphore(%arg14 : memref<!tpu.dma_semaphore, #tpu.memory_space<semaphore_mem>>)
    %add3A_77 = arith.constant 43792 : i32
    %add3A_78 = arith.addi %mul3A_21, %add3A_77 : i32
    %dma_start3A_79 = arith.constant 43792 : i32
    %dma_start3A_80 = tpu.memref_slice %arg8[%dma_start3A_79] : memref<100096xf32, #tpu.memory_space<vmem>> -> memref<6256xf32, #tpu.memory_space<vmem>>
    %dma_start3A_81 = tpu.memref_slice %arg7[%add3A_78] : memref<3203072xf32, #tpu.memory_space<hbm>> -> memref<6256xf32, #tpu.memory_space<hbm>>
    %dma_start3A_82 = tpu.memref_slice %arg7[%add3A_78] : memref<3203072xf32, #tpu.memory_space<hbm>> -> memref<6256xf32, #tpu.memory_space<hbm>>
    %dma_start3A_83 = arith.constant 43792 : i32
    %dma_start3A_84 = tpu.memref_slice %arg8[%dma_start3A_83] : memref<100096xf32, #tpu.memory_space<vmem>> -> memref<6256xf32, #tpu.memory_space<vmem>>
    tpu.enqueue_dma source(%dma_start3A_84 : memref<6256xf32, #tpu.memory_space<vmem>>) target(%dma_start3A_82 : memref<6256xf32, #tpu.memory_space<hbm>>) target_semaphore(%arg14 : memref<!tpu.dma_semaphore, #tpu.memory_space<semaphore_mem>>)
    %add3A_85 = arith.constant 50048 : i32
    %add3A_86 = arith.addi %mul3A_21, %add3A_85 : i32
    %dma_start3A_87 = arith.constant 50048 : i32
    %dma_start3A_88 = tpu.memref_slice %arg8[%dma_start3A_87] : memref<100096xf32, #tpu.memory_space<vmem>> -> memref<6256xf32, #tpu.memory_space<vmem>>
    %dma_start3A_89 = tpu.memref_slice %arg7[%add3A_86] : memref<3203072xf32, #tpu.memory_space<hbm>> -> memref<6256xf32, #tpu.memory_space<hbm>>
    %dma_start3A_90 = tpu.memref_slice %arg7[%add3A_86] : memref<3203072xf32, #tpu.memory_space<hbm>> -> memref<6256xf32, #tpu.memory_space<hbm>>
    %dma_start3A_91 = arith.constant 50048 : i32
    %dma_start3A_92 = tpu.memref_slice %arg8[%dma_start3A_91] : memref<100096xf32, #tpu.memory_space<vmem>> -> memref<6256xf32, #tpu.memory_space<vmem>>
    tpu.enqueue_dma source(%dma_start3A_92 : memref<6256xf32, #tpu.memory_space<vmem>>) target(%dma_start3A_90 : memref<6256xf32, #tpu.memory_space<hbm>>) target_semaphore(%arg14 : memref<!tpu.dma_semaphore, #tpu.memory_space<semaphore_mem>>)
    %add3A_93 = arith.constant 56304 : i32
    %add3A_94 = arith.addi %mul3A_21, %add3A_93 : i32
    %dma_start3A_95 = arith.constant 56304 : i32
    %dma_start3A_96 = tpu.memref_slice %arg8[%dma_start3A_95] : memref<100096xf32, #tpu.memory_space<vmem>> -> memref<6256xf32, #tpu.memory_space<vmem>>
    %dma_start3A_97 = tpu.memref_slice %arg7[%add3A_94] : memref<3203072xf32, #tpu.memory_space<hbm>> -> memref<6256xf32, #tpu.memory_space<hbm>>
    %dma_start3A_98 = tpu.memref_slice %arg7[%add3A_94] : memref<3203072xf32, #tpu.memory_space<hbm>> -> memref<6256xf32, #tpu.memory_space<hbm>>
    %dma_start3A_99 = arith.constant 56304 : i32
    %dma_start3A_100 = tpu.memref_slice %arg8[%dma_start3A_99] : memref<100096xf32, #tpu.memory_space<vmem>> -> memref<6256xf32, #tpu.memory_space<vmem>>
    tpu.enqueue_dma source(%dma_start3A_100 : memref<6256xf32, #tpu.memory_space<vmem>>) target(%dma_start3A_98 : memref<6256xf32, #tpu.memory_space<hbm>>) target_semaphore(%arg14 : memref<!tpu.dma_semaphore, #tpu.memory_space<semaphore_mem>>)
    %add3A_101 = arith.constant 62560 : i32
    %add3A_102 = arith.addi %mul3A_21, %add3A_101 : i32
    %dma_start3A_103 = arith.constant 62560 : i32
    %dma_start3A_104 = tpu.memref_slice %arg8[%dma_start3A_103] : memref<100096xf32, #tpu.memory_space<vmem>> -> memref<6256xf32, #tpu.memory_space<vmem>>
    %dma_start3A_105 = tpu.memref_slice %arg7[%add3A_102] : memref<3203072xf32, #tpu.memory_space<hbm>> -> memref<6256xf32, #tpu.memory_space<hbm>>
    %dma_start3A_106 = tpu.memref_slice %arg7[%add3A_102] : memref<3203072xf32, #tpu.memory_space<hbm>> -> memref<6256xf32, #tpu.memory_space<hbm>>
    %dma_start3A_107 = arith.constant 62560 : i32
    %dma_start3A_108 = tpu.memref_slice %arg8[%dma_start3A_107] : memref<100096xf32, #tpu.memory_space<vmem>> -> memref<6256xf32, #tpu.memory_space<vmem>>
    tpu.enqueue_dma source(%dma_start3A_108 : memref<6256xf32, #tpu.memory_space<vmem>>) target(%dma_start3A_106 : memref<6256xf32, #tpu.memory_space<hbm>>) target_semaphore(%arg14 : memref<!tpu.dma_semaphore, #tpu.memory_space<semaphore_mem>>)
    %add3A_109 = arith.constant 68816 : i32
    %add3A_110 = arith.addi %mul3A_21, %add3A_109 : i32
    %dma_start3A_111 = arith.constant 68816 : i32
    %dma_start3A_112 = tpu.memref_slice %arg8[%dma_start3A_111] : memref<100096xf32, #tpu.memory_space<vmem>> -> memref<6256xf32, #tpu.memory_space<vmem>>
    %dma_start3A_113 = tpu.memref_slice %arg7[%add3A_110] : memref<3203072xf32, #tpu.memory_space<hbm>> -> memref<6256xf32, #tpu.memory_space<hbm>>
    %dma_start3A_114 = tpu.memref_slice %arg7[%add3A_110] : memref<3203072xf32, #tpu.memory_space<hbm>> -> memref<6256xf32, #tpu.memory_space<hbm>>
    %dma_start3A_115 = arith.constant 68816 : i32
    %dma_start3A_116 = tpu.memref_slice %arg8[%dma_start3A_115] : memref<100096xf32, #tpu.memory_space<vmem>> -> memref<6256xf32, #tpu.memory_space<vmem>>
    tpu.enqueue_dma source(%dma_start3A_116 : memref<6256xf32, #tpu.memory_space<vmem>>) target(%dma_start3A_114 : memref<6256xf32, #tpu.memory_space<hbm>>) target_semaphore(%arg14 : memref<!tpu.dma_semaphore, #tpu.memory_space<semaphore_mem>>)
    %add3A_117 = arith.constant 75072 : i32
    %add3A_118 = arith.addi %mul3A_21, %add3A_117 : i32
    %dma_start3A_119 = arith.constant 75072 : i32
    %dma_start3A_120 = tpu.memref_slice %arg8[%dma_start3A_119] : memref<100096xf32, #tpu.memory_space<vmem>> -> memref<6256xf32, #tpu.memory_space<vmem>>
    %dma_start3A_121 = tpu.memref_slice %arg7[%add3A_118] : memref<3203072xf32, #tpu.memory_space<hbm>> -> memref<6256xf32, #tpu.memory_space<hbm>>
    %dma_start3A_122 = tpu.memref_slice %arg7[%add3A_118] : memref<3203072xf32, #tpu.memory_space<hbm>> -> memref<6256xf32, #tpu.memory_space<hbm>>
    %dma_start3A_123 = arith.constant 75072 : i32
    %dma_start3A_124 = tpu.memref_slice %arg8[%dma_start3A_123] : memref<100096xf32, #tpu.memory_space<vmem>> -> memref<6256xf32, #tpu.memory_space<vmem>>
    tpu.enqueue_dma source(%dma_start3A_124 : memref<6256xf32, #tpu.memory_space<vmem>>) target(%dma_start3A_122 : memref<6256xf32, #tpu.memory_space<hbm>>) target_semaphore(%arg14 : memref<!tpu.dma_semaphore, #tpu.memory_space<semaphore_mem>>)
    %add3A_125 = arith.constant 81328 : i32
    %add3A_126 = arith.addi %mul3A_21, %add3A_125 : i32
    %dma_start3A_127 = arith.constant 81328 : i32
    %dma_start3A_128 = tpu.memref_slice %arg8[%dma_start3A_127] : memref<100096xf32, #tpu.memory_space<vmem>> -> memref<6256xf32, #tpu.memory_space<vmem>>
    %dma_start3A_129 = tpu.memref_slice %arg7[%add3A_126] : memref<3203072xf32, #tpu.memory_space<hbm>> -> memref<6256xf32, #tpu.memory_space<hbm>>
    %dma_start3A_130 = tpu.memref_slice %arg7[%add3A_126] : memref<3203072xf32, #tpu.memory_space<hbm>> -> memref<6256xf32, #tpu.memory_space<hbm>>
    %dma_start3A_131 = arith.constant 81328 : i32
    %dma_start3A_132 = tpu.memref_slice %arg8[%dma_start3A_131] : memref<100096xf32, #tpu.memory_space<vmem>> -> memref<6256xf32, #tpu.memory_space<vmem>>
    tpu.enqueue_dma source(%dma_start3A_132 : memref<6256xf32, #tpu.memory_space<vmem>>) target(%dma_start3A_130 : memref<6256xf32, #tpu.memory_space<hbm>>) target_semaphore(%arg14 : memref<!tpu.dma_semaphore, #tpu.memory_space<semaphore_mem>>)
    %add3A_133 = arith.constant 87584 : i32
    %add3A_134 = arith.addi %mul3A_21, %add3A_133 : i32
    %dma_start3A_135 = arith.constant 87584 : i32
    %dma_start3A_136 = tpu.memref_slice %arg8[%dma_start3A_135] : memref<100096xf32, #tpu.memory_space<vmem>> -> memref<6256xf32, #tpu.memory_space<vmem>>
    %dma_start3A_137 = tpu.memref_slice %arg7[%add3A_134] : memref<3203072xf32, #tpu.memory_space<hbm>> -> memref<6256xf32, #tpu.memory_space<hbm>>
    %dma_start3A_138 = tpu.memref_slice %arg7[%add3A_134] : memref<3203072xf32, #tpu.memory_space<hbm>> -> memref<6256xf32, #tpu.memory_space<hbm>>
    %dma_start3A_139 = arith.constant 87584 : i32
    %dma_start3A_140 = tpu.memref_slice %arg8[%dma_start3A_139] : memref<100096xf32, #tpu.memory_space<vmem>> -> memref<6256xf32, #tpu.memory_space<vmem>>
    tpu.enqueue_dma source(%dma_start3A_140 : memref<6256xf32, #tpu.memory_space<vmem>>) target(%dma_start3A_138 : memref<6256xf32, #tpu.memory_space<hbm>>) target_semaphore(%arg14 : memref<!tpu.dma_semaphore, #tpu.memory_space<semaphore_mem>>)
    %add3A_141 = arith.constant 93840 : i32
    %add3A_142 = arith.addi %mul3A_21, %add3A_141 : i32
    %dma_start3A_143 = arith.constant 93840 : i32
    %dma_start3A_144 = tpu.memref_slice %arg8[%dma_start3A_143] : memref<100096xf32, #tpu.memory_space<vmem>> -> memref<6256xf32, #tpu.memory_space<vmem>>
    %dma_start3A_145 = tpu.memref_slice %arg7[%add3A_142] : memref<3203072xf32, #tpu.memory_space<hbm>> -> memref<6256xf32, #tpu.memory_space<hbm>>
    %dma_start3A_146 = tpu.memref_slice %arg7[%add3A_142] : memref<3203072xf32, #tpu.memory_space<hbm>> -> memref<6256xf32, #tpu.memory_space<hbm>>
    %dma_start3A_147 = arith.constant 93840 : i32
    %dma_start3A_148 = tpu.memref_slice %arg8[%dma_start3A_147] : memref<100096xf32, #tpu.memory_space<vmem>> -> memref<6256xf32, #tpu.memory_space<vmem>>
    tpu.enqueue_dma source(%dma_start3A_148 : memref<6256xf32, #tpu.memory_space<vmem>>) target(%dma_start3A_146 : memref<6256xf32, #tpu.memory_space<hbm>>) target_semaphore(%arg14 : memref<!tpu.dma_semaphore, #tpu.memory_space<semaphore_mem>>)
    %dma_wait3A = arith.constant 0 : i32
    %dma_wait3A_149 = tpu.memref_slice %arg8[%dma_wait3A] : memref<100096xf32, #tpu.memory_space<vmem>> -> memref<6256xf32, #tpu.memory_space<vmem>>
    %dma_wait3A_150 = tpu.memref_slice %arg7[%add3A_23] : memref<3203072xf32, #tpu.memory_space<hbm>> -> memref<6256xf32, #tpu.memory_space<hbm>>
    %dma_wait3A_151 = tpu.memref_slice %arg7[%add3A_23] : memref<3203072xf32, #tpu.memory_space<hbm>> -> memref<6256xf32, #tpu.memory_space<hbm>>
    %dma_wait3A_152 = arith.constant 0 : i32
    %dma_wait3A_153 = tpu.memref_slice %arg8[%dma_wait3A_152] : memref<100096xf32, #tpu.memory_space<vmem>> -> memref<6256xf32, #tpu.memory_space<vmem>>
    tpu.wait_dma2 semaphore(%arg14 : memref<!tpu.dma_semaphore, #tpu.memory_space<semaphore_mem>>) src(%dma_wait3A_153 : memref<6256xf32, #tpu.memory_space<vmem>>) dst(%dma_wait3A_151 : memref<6256xf32, #tpu.memory_space<hbm>>)
    %dma_wait3A_154 = arith.constant 6256 : i32
    %dma_wait3A_155 = tpu.memref_slice %arg8[%dma_wait3A_154] : memref<100096xf32, #tpu.memory_space<vmem>> -> memref<6256xf32, #tpu.memory_space<vmem>>
    %dma_wait3A_156 = tpu.memref_slice %arg7[%add3A_30] : memref<3203072xf32, #tpu.memory_space<hbm>> -> memref<6256xf32, #tpu.memory_space<hbm>>
    %dma_wait3A_157 = tpu.memref_slice %arg7[%add3A_30] : memref<3203072xf32, #tpu.memory_space<hbm>> -> memref<6256xf32, #tpu.memory_space<hbm>>
    %dma_wait3A_158 = arith.constant 6256 : i32
    %dma_wait3A_159 = tpu.memref_slice %arg8[%dma_wait3A_158] : memref<100096xf32, #tpu.memory_space<vmem>> -> memref<6256xf32, #tpu.memory_space<vmem>>
    tpu.wait_dma2 semaphore(%arg14 : memref<!tpu.dma_semaphore, #tpu.memory_space<semaphore_mem>>) src(%dma_wait3A_159 : memref<6256xf32, #tpu.memory_space<vmem>>) dst(%dma_wait3A_157 : memref<6256xf32, #tpu.memory_space<hbm>>)
    %dma_wait3A_160 = arith.constant 12512 : i32
    %dma_wait3A_161 = tpu.memref_slice %arg8[%dma_wait3A_160] : memref<100096xf32, #tpu.memory_space<vmem>> -> memref<6256xf32, #tpu.memory_space<vmem>>
    %dma_wait3A_162 = tpu.memref_slice %arg7[%add3A_38] : memref<3203072xf32, #tpu.memory_space<hbm>> -> memref<6256xf32, #tpu.memory_space<hbm>>
    %dma_wait3A_163 = tpu.memref_slice %arg7[%add3A_38] : memref<3203072xf32, #tpu.memory_space<hbm>> -> memref<6256xf32, #tpu.memory_space<hbm>>
    %dma_wait3A_164 = arith.constant 12512 : i32
    %dma_wait3A_165 = tpu.memref_slice %arg8[%dma_wait3A_164] : memref<100096xf32, #tpu.memory_space<vmem>> -> memref<6256xf32, #tpu.memory_space<vmem>>
    tpu.wait_dma2 semaphore(%arg14 : memref<!tpu.dma_semaphore, #tpu.memory_space<semaphore_mem>>) src(%dma_wait3A_165 : memref<6256xf32, #tpu.memory_space<vmem>>) dst(%dma_wait3A_163 : memref<6256xf32, #tpu.memory_space<hbm>>)
    %dma_wait3A_166 = arith.constant 18768 : i32
    %dma_wait3A_167 = tpu.memref_slice %arg8[%dma_wait3A_166] : memref<100096xf32, #tpu.memory_space<vmem>> -> memref<6256xf32, #tpu.memory_space<vmem>>
    %dma_wait3A_168 = tpu.memref_slice %arg7[%add3A_46] : memref<3203072xf32, #tpu.memory_space<hbm>> -> memref<6256xf32, #tpu.memory_space<hbm>>
    %dma_wait3A_169 = tpu.memref_slice %arg7[%add3A_46] : memref<3203072xf32, #tpu.memory_space<hbm>> -> memref<6256xf32, #tpu.memory_space<hbm>>
    %dma_wait3A_170 = arith.constant 18768 : i32
    %dma_wait3A_171 = tpu.memref_slice %arg8[%dma_wait3A_170] : memref<100096xf32, #tpu.memory_space<vmem>> -> memref<6256xf32, #tpu.memory_space<vmem>>
    tpu.wait_dma2 semaphore(%arg14 : memref<!tpu.dma_semaphore, #tpu.memory_space<semaphore_mem>>) src(%dma_wait3A_171 : memref<6256xf32, #tpu.memory_space<vmem>>) dst(%dma_wait3A_169 : memref<6256xf32, #tpu.memory_space<hbm>>)
    %dma_wait3A_172 = arith.constant 25024 : i32
    %dma_wait3A_173 = tpu.memref_slice %arg8[%dma_wait3A_172] : memref<100096xf32, #tpu.memory_space<vmem>> -> memref<6256xf32, #tpu.memory_space<vmem>>
    %dma_wait3A_174 = tpu.memref_slice %arg7[%add3A_54] : memref<3203072xf32, #tpu.memory_space<hbm>> -> memref<6256xf32, #tpu.memory_space<hbm>>
    %dma_wait3A_175 = tpu.memref_slice %arg7[%add3A_54] : memref<3203072xf32, #tpu.memory_space<hbm>> -> memref<6256xf32, #tpu.memory_space<hbm>>
    %dma_wait3A_176 = arith.constant 25024 : i32
    %dma_wait3A_177 = tpu.memref_slice %arg8[%dma_wait3A_176] : memref<100096xf32, #tpu.memory_space<vmem>> -> memref<6256xf32, #tpu.memory_space<vmem>>
    tpu.wait_dma2 semaphore(%arg14 : memref<!tpu.dma_semaphore, #tpu.memory_space<semaphore_mem>>) src(%dma_wait3A_177 : memref<6256xf32, #tpu.memory_space<vmem>>) dst(%dma_wait3A_175 : memref<6256xf32, #tpu.memory_space<hbm>>)
    %dma_wait3A_178 = arith.constant 31280 : i32
    %dma_wait3A_179 = tpu.memref_slice %arg8[%dma_wait3A_178] : memref<100096xf32, #tpu.memory_space<vmem>> -> memref<6256xf32, #tpu.memory_space<vmem>>
    %dma_wait3A_180 = tpu.memref_slice %arg7[%add3A_62] : memref<3203072xf32, #tpu.memory_space<hbm>> -> memref<6256xf32, #tpu.memory_space<hbm>>
    %dma_wait3A_181 = tpu.memref_slice %arg7[%add3A_62] : memref<3203072xf32, #tpu.memory_space<hbm>> -> memref<6256xf32, #tpu.memory_space<hbm>>
    %dma_wait3A_182 = arith.constant 31280 : i32
    %dma_wait3A_183 = tpu.memref_slice %arg8[%dma_wait3A_182] : memref<100096xf32, #tpu.memory_space<vmem>> -> memref<6256xf32, #tpu.memory_space<vmem>>
    tpu.wait_dma2 semaphore(%arg14 : memref<!tpu.dma_semaphore, #tpu.memory_space<semaphore_mem>>) src(%dma_wait3A_183 : memref<6256xf32, #tpu.memory_space<vmem>>) dst(%dma_wait3A_181 : memref<6256xf32, #tpu.memory_space<hbm>>)
    %dma_wait3A_184 = arith.constant 37536 : i32
    %dma_wait3A_185 = tpu.memref_slice %arg8[%dma_wait3A_184] : memref<100096xf32, #tpu.memory_space<vmem>> -> memref<6256xf32, #tpu.memory_space<vmem>>
    %dma_wait3A_186 = tpu.memref_slice %arg7[%add3A_70] : memref<3203072xf32, #tpu.memory_space<hbm>> -> memref<6256xf32, #tpu.memory_space<hbm>>
    %dma_wait3A_187 = tpu.memref_slice %arg7[%add3A_70] : memref<3203072xf32, #tpu.memory_space<hbm>> -> memref<6256xf32, #tpu.memory_space<hbm>>
    %dma_wait3A_188 = arith.constant 37536 : i32
    %dma_wait3A_189 = tpu.memref_slice %arg8[%dma_wait3A_188] : memref<100096xf32, #tpu.memory_space<vmem>> -> memref<6256xf32, #tpu.memory_space<vmem>>
    tpu.wait_dma2 semaphore(%arg14 : memref<!tpu.dma_semaphore, #tpu.memory_space<semaphore_mem>>) src(%dma_wait3A_189 : memref<6256xf32, #tpu.memory_space<vmem>>) dst(%dma_wait3A_187 : memref<6256xf32, #tpu.memory_space<hbm>>)
    %dma_wait3A_190 = arith.constant 43792 : i32
    %dma_wait3A_191 = tpu.memref_slice %arg8[%dma_wait3A_190] : memref<100096xf32, #tpu.memory_space<vmem>> -> memref<6256xf32, #tpu.memory_space<vmem>>
    %dma_wait3A_192 = tpu.memref_slice %arg7[%add3A_78] : memref<3203072xf32, #tpu.memory_space<hbm>> -> memref<6256xf32, #tpu.memory_space<hbm>>
    %dma_wait3A_193 = tpu.memref_slice %arg7[%add3A_78] : memref<3203072xf32, #tpu.memory_space<hbm>> -> memref<6256xf32, #tpu.memory_space<hbm>>
    %dma_wait3A_194 = arith.constant 43792 : i32
    %dma_wait3A_195 = tpu.memref_slice %arg8[%dma_wait3A_194] : memref<100096xf32, #tpu.memory_space<vmem>> -> memref<6256xf32, #tpu.memory_space<vmem>>
    tpu.wait_dma2 semaphore(%arg14 : memref<!tpu.dma_semaphore, #tpu.memory_space<semaphore_mem>>) src(%dma_wait3A_195 : memref<6256xf32, #tpu.memory_space<vmem>>) dst(%dma_wait3A_193 : memref<6256xf32, #tpu.memory_space<hbm>>)
    %dma_wait3A_196 = arith.constant 50048 : i32
    %dma_wait3A_197 = tpu.memref_slice %arg8[%dma_wait3A_196] : memref<100096xf32, #tpu.memory_space<vmem>> -> memref<6256xf32, #tpu.memory_space<vmem>>
    %dma_wait3A_198 = tpu.memref_slice %arg7[%add3A_86] : memref<3203072xf32, #tpu.memory_space<hbm>> -> memref<6256xf32, #tpu.memory_space<hbm>>
    %dma_wait3A_199 = tpu.memref_slice %arg7[%add3A_86] : memref<3203072xf32, #tpu.memory_space<hbm>> -> memref<6256xf32, #tpu.memory_space<hbm>>
    %dma_wait3A_200 = arith.constant 50048 : i32
    %dma_wait3A_201 = tpu.memref_slice %arg8[%dma_wait3A_200] : memref<100096xf32, #tpu.memory_space<vmem>> -> memref<6256xf32, #tpu.memory_space<vmem>>
    tpu.wait_dma2 semaphore(%arg14 : memref<!tpu.dma_semaphore, #tpu.memory_space<semaphore_mem>>) src(%dma_wait3A_201 : memref<6256xf32, #tpu.memory_space<vmem>>) dst(%dma_wait3A_199 : memref<6256xf32, #tpu.memory_space<hbm>>)
    %dma_wait3A_202 = arith.constant 56304 : i32
    %dma_wait3A_203 = tpu.memref_slice %arg8[%dma_wait3A_202] : memref<100096xf32, #tpu.memory_space<vmem>> -> memref<6256xf32, #tpu.memory_space<vmem>>
    %dma_wait3A_204 = tpu.memref_slice %arg7[%add3A_94] : memref<3203072xf32, #tpu.memory_space<hbm>> -> memref<6256xf32, #tpu.memory_space<hbm>>
    %dma_wait3A_205 = tpu.memref_slice %arg7[%add3A_94] : memref<3203072xf32, #tpu.memory_space<hbm>> -> memref<6256xf32, #tpu.memory_space<hbm>>
    %dma_wait3A_206 = arith.constant 56304 : i32
    %dma_wait3A_207 = tpu.memref_slice %arg8[%dma_wait3A_206] : memref<100096xf32, #tpu.memory_space<vmem>> -> memref<6256xf32, #tpu.memory_space<vmem>>
    tpu.wait_dma2 semaphore(%arg14 : memref<!tpu.dma_semaphore, #tpu.memory_space<semaphore_mem>>) src(%dma_wait3A_207 : memref<6256xf32, #tpu.memory_space<vmem>>) dst(%dma_wait3A_205 : memref<6256xf32, #tpu.memory_space<hbm>>)
    %dma_wait3A_208 = arith.constant 62560 : i32
    %dma_wait3A_209 = tpu.memref_slice %arg8[%dma_wait3A_208] : memref<100096xf32, #tpu.memory_space<vmem>> -> memref<6256xf32, #tpu.memory_space<vmem>>
    %dma_wait3A_210 = tpu.memref_slice %arg7[%add3A_102] : memref<3203072xf32, #tpu.memory_space<hbm>> -> memref<6256xf32, #tpu.memory_space<hbm>>
    %dma_wait3A_211 = tpu.memref_slice %arg7[%add3A_102] : memref<3203072xf32, #tpu.memory_space<hbm>> -> memref<6256xf32, #tpu.memory_space<hbm>>
    %dma_wait3A_212 = arith.constant 62560 : i32
    %dma_wait3A_213 = tpu.memref_slice %arg8[%dma_wait3A_212] : memref<100096xf32, #tpu.memory_space<vmem>> -> memref<6256xf32, #tpu.memory_space<vmem>>
    tpu.wait_dma2 semaphore(%arg14 : memref<!tpu.dma_semaphore, #tpu.memory_space<semaphore_mem>>) src(%dma_wait3A_213 : memref<6256xf32, #tpu.memory_space<vmem>>) dst(%dma_wait3A_211 : memref<6256xf32, #tpu.memory_space<hbm>>)
    %dma_wait3A_214 = arith.constant 68816 : i32
    %dma_wait3A_215 = tpu.memref_slice %arg8[%dma_wait3A_214] : memref<100096xf32, #tpu.memory_space<vmem>> -> memref<6256xf32, #tpu.memory_space<vmem>>
    %dma_wait3A_216 = tpu.memref_slice %arg7[%add3A_110] : memref<3203072xf32, #tpu.memory_space<hbm>> -> memref<6256xf32, #tpu.memory_space<hbm>>
    %dma_wait3A_217 = tpu.memref_slice %arg7[%add3A_110] : memref<3203072xf32, #tpu.memory_space<hbm>> -> memref<6256xf32, #tpu.memory_space<hbm>>
    %dma_wait3A_218 = arith.constant 68816 : i32
    %dma_wait3A_219 = tpu.memref_slice %arg8[%dma_wait3A_218] : memref<100096xf32, #tpu.memory_space<vmem>> -> memref<6256xf32, #tpu.memory_space<vmem>>
    tpu.wait_dma2 semaphore(%arg14 : memref<!tpu.dma_semaphore, #tpu.memory_space<semaphore_mem>>) src(%dma_wait3A_219 : memref<6256xf32, #tpu.memory_space<vmem>>) dst(%dma_wait3A_217 : memref<6256xf32, #tpu.memory_space<hbm>>)
    %dma_wait3A_220 = arith.constant 75072 : i32
    %dma_wait3A_221 = tpu.memref_slice %arg8[%dma_wait3A_220] : memref<100096xf32, #tpu.memory_space<vmem>> -> memref<6256xf32, #tpu.memory_space<vmem>>
    %dma_wait3A_222 = tpu.memref_slice %arg7[%add3A_118] : memref<3203072xf32, #tpu.memory_space<hbm>> -> memref<6256xf32, #tpu.memory_space<hbm>>
    %dma_wait3A_223 = tpu.memref_slice %arg7[%add3A_118] : memref<3203072xf32, #tpu.memory_space<hbm>> -> memref<6256xf32, #tpu.memory_space<hbm>>
    %dma_wait3A_224 = arith.constant 75072 : i32
    %dma_wait3A_225 = tpu.memref_slice %arg8[%dma_wait3A_224] : memref<100096xf32, #tpu.memory_space<vmem>> -> memref<6256xf32, #tpu.memory_space<vmem>>
    tpu.wait_dma2 semaphore(%arg14 : memref<!tpu.dma_semaphore, #tpu.memory_space<semaphore_mem>>) src(%dma_wait3A_225 : memref<6256xf32, #tpu.memory_space<vmem>>) dst(%dma_wait3A_223 : memref<6256xf32, #tpu.memory_space<hbm>>)
    %dma_wait3A_226 = arith.constant 81328 : i32
    %dma_wait3A_227 = tpu.memref_slice %arg8[%dma_wait3A_226] : memref<100096xf32, #tpu.memory_space<vmem>> -> memref<6256xf32, #tpu.memory_space<vmem>>
    %dma_wait3A_228 = tpu.memref_slice %arg7[%add3A_126] : memref<3203072xf32, #tpu.memory_space<hbm>> -> memref<6256xf32, #tpu.memory_space<hbm>>
    %dma_wait3A_229 = tpu.memref_slice %arg7[%add3A_126] : memref<3203072xf32, #tpu.memory_space<hbm>> -> memref<6256xf32, #tpu.memory_space<hbm>>
    %dma_wait3A_230 = arith.constant 81328 : i32
    %dma_wait3A_231 = tpu.memref_slice %arg8[%dma_wait3A_230] : memref<100096xf32, #tpu.memory_space<vmem>> -> memref<6256xf32, #tpu.memory_space<vmem>>
    tpu.wait_dma2 semaphore(%arg14 : memref<!tpu.dma_semaphore, #tpu.memory_space<semaphore_mem>>) src(%dma_wait3A_231 : memref<6256xf32, #tpu.memory_space<vmem>>) dst(%dma_wait3A_229 : memref<6256xf32, #tpu.memory_space<hbm>>)
    %dma_wait3A_232 = arith.constant 87584 : i32
    %dma_wait3A_233 = tpu.memref_slice %arg8[%dma_wait3A_232] : memref<100096xf32, #tpu.memory_space<vmem>> -> memref<6256xf32, #tpu.memory_space<vmem>>
    %dma_wait3A_234 = tpu.memref_slice %arg7[%add3A_134] : memref<3203072xf32, #tpu.memory_space<hbm>> -> memref<6256xf32, #tpu.memory_space<hbm>>
    %dma_wait3A_235 = tpu.memref_slice %arg7[%add3A_134] : memref<3203072xf32, #tpu.memory_space<hbm>> -> memref<6256xf32, #tpu.memory_space<hbm>>
    %dma_wait3A_236 = arith.constant 87584 : i32
    %dma_wait3A_237 = tpu.memref_slice %arg8[%dma_wait3A_236] : memref<100096xf32, #tpu.memory_space<vmem>> -> memref<6256xf32, #tpu.memory_space<vmem>>
    tpu.wait_dma2 semaphore(%arg14 : memref<!tpu.dma_semaphore, #tpu.memory_space<semaphore_mem>>) src(%dma_wait3A_237 : memref<6256xf32, #tpu.memory_space<vmem>>) dst(%dma_wait3A_235 : memref<6256xf32, #tpu.memory_space<hbm>>)
    %dma_wait3A_238 = arith.constant 93840 : i32
    %dma_wait3A_239 = tpu.memref_slice %arg8[%dma_wait3A_238] : memref<100096xf32, #tpu.memory_space<vmem>> -> memref<6256xf32, #tpu.memory_space<vmem>>
    %dma_wait3A_240 = tpu.memref_slice %arg7[%add3A_142] : memref<3203072xf32, #tpu.memory_space<hbm>> -> memref<6256xf32, #tpu.memory_space<hbm>>
    %dma_wait3A_241 = tpu.memref_slice %arg7[%add3A_142] : memref<3203072xf32, #tpu.memory_space<hbm>> -> memref<6256xf32, #tpu.memory_space<hbm>>
    %dma_wait3A_242 = arith.constant 93840 : i32
    %dma_wait3A_243 = tpu.memref_slice %arg8[%dma_wait3A_242] : memref<100096xf32, #tpu.memory_space<vmem>> -> memref<6256xf32, #tpu.memory_space<vmem>>
    tpu.wait_dma2 semaphore(%arg14 : memref<!tpu.dma_semaphore, #tpu.memory_space<semaphore_mem>>) src(%dma_wait3A_243 : memref<6256xf32, #tpu.memory_space<vmem>>) dst(%dma_wait3A_241 : memref<6256xf32, #tpu.memory_space<hbm>>)
    return
  }
}

module attributes {stable_mosaic.version = 14 : i64} {
  func.func @_tc_sum_body(%arg0: memref<32x782x128xf32, #tpu.memory_space<vmem>>, %arg1: memref<782x128xf32, #tpu.memory_space<vmem>>) attributes {dimension_semantics = [], scalar_prefetch = 0 : i64, scratch_operands = 0 : i64, tpu.core_type = #tpu.core_type<tc>} {
    %get3A = arith.constant 0 : index
    %get3A_0 = arith.constant 0 : index
    %get3A_1 = arith.constant 0 : index
    %get3A_2 = vector.load %arg0[%get3A, %get3A_0, %get3A_1] : memref<32x782x128xf32, #tpu.memory_space<vmem>>, vector<32x782x128xf32>
    %reduce_sum3A = arith.constant dense<0.000000e+00> : vector<782x128xf32>
    %reduce_sum3A_3 = vector.multi_reduction <add>, %get3A_2, %reduce_sum3A [0] : vector<32x782x128xf32> to vector<782x128xf32>
    %swap3A = arith.constant 0 : index
    %swap3A_4 = arith.constant 0 : index
    %swap3A_5 = vector.load %arg1[%swap3A, %swap3A_4] : memref<782x128xf32, #tpu.memory_space<vmem>>, vector<782x128xf32>
    tpu.vector_store %arg1[%swap3A, %swap3A_4], %reduce_sum3A_3 {strides = array<i32>} : memref<782x128xf32, #tpu.memory_space<vmem>>, vector<782x128xf32>,
    return
  }
}

</mosaic_0001>

<sc_bundles>
// kernel: kernel.4.cloned.1.call-start
scs
__scs_entry_jumppad:
0x0: {  	(pc) =	sbr.rel $0x88, $3  }
0x1: {  	(tag) =	ssettag $0x0;
	lr =	simm.s32 $0x1  }
0x2: {  	[smem:$0x3F9B] =	sst lr;
	_ =	strace $0xD0000000  }
0x3: {  	_ = 	snop  }
0x4: {  	_ = 	snop  }
0x5: {  	_ = 	snop  }
0x6: {  	_ = 	snop  }
0x7: {  	_ = 	snop  }
__scs_overlays_trampoline_lowered:
0x8: {  	[smem:$0x3FAA] =	sst s0  }
0x9: {  	[smem:$0x3FAB] =	sst s1  }
0xa: {  	[smem:$0x3FAC] =	sst s2  }
0xb: {  	[smem:$0x3FAD] =	sst s3  }
0xc: {  	[smem:$0x3FAE] =	sst s4  }
0xd: {  	[smem:$0x3FAF] =	sst s5  }
0xe: {  	[smem:$0x3FB0] =	sst s6  }
0xf: {  	[smem:$0x3FB1] =	sst s7  }
0x10: {  	[smem:$0x3FB2] =	sst s8  }
0x11: {  	[smem:$0x3FB3] =	sst s9;
	s0 =	simm.s32 @!p0 $0x0  }
0x12: {  	s1 =	sld [smem:$0x3F99];
	s0 =	simm.s32 @p0 $0x1  }
0x13: {  	[smem:$0x3FB4] =	sst s0;
	s0 =	simm.s32 @!p1 $0x0  }
0x14: {  	s2 =	sld [smem:$0x3F98];
	s0 =	simm.s32 @p1 $0x1  }
0x15: {  	[smem:$0x3FB5] =	sst s0;
	s0 =	simm.s32 @!p2 $0x0  }
0x16: {  	s3 =	sld [smem:$0x3FDB];
	s0 =	simm.s32 @p2 $0x1  }
0x17: {  	s4 =	simm.s32 $0x1BF5;
	[smem:$0x3FB7] =	sst s0  }
0x18: {  	s0 =	sld [smem:$0x3F9A];
	_ =	swait.ge [sflag:s4], $0x0  }
0x19: {  	s7 =	sld [smem:$0x3F9B]  }
0x1a: {  	s8 =	sadd.s32 $0xFFFFE003, lr  }
0x1b: {  	s9 =	sadd.s32 $0xFFFFFEF7, lr;
	s5 =	simm.s32 $0xFFFFFFFF;
	p2 =	slt.u32 s8, $0xFFFFF086  }
0x1c: {  	p1 =	slt.u32 s9, $0xF7A;
	s5 =	simm.s32 @!p2 $0x0  }
0x1d: {  	s5 =	simm.s32 @p1 $0x1;
	p0 =	seq.s32 s7, s2  }
0x1e: {  	s7 =	smul.u32 @!p0 $0xF7A, s2;
	p2 =	seq.s32 @!p0 s5, $0x0  }
0x1f: {  	s9 =	smul.u32 $0xF7A, s1;
	s8 =	simm.s32 @!p0 $0x1BF5;
	p2 =	por !p2, p0  }
0x20: {  	[sflag:s8] =	ssyncset.s32 @!p0 $0xFFFFF086;
	s6 =	sadd.s32 @!p0 s3, s7;
	s7 =	simm.s32 @!p0 $0x108  }
0x21: {  	s3 =	sadd.s32 s3, s9;
	s6 =	sadd.s32 @!p0 $0x88, s6;
	s7 =	simm.s32 @p2 $0x1082  }
0x22: {  	[simem:s7], [sflag:s8] =	dma.local @!p0 [hbm:s6], $0xF7A  }
0x23: {  	s9 =	sor.u32 $0xD0000000, s2;
	s6 =	simm.s32 $0x108;
	_ =	swait.ge @!p0 [sflag:s8], $0x0  }
0x24: {  	s3 =	sadd.s32 $0x88, s3;
	s6 =	simm.s32 @!p1 $0x1082;
	[sflag:s4] =	ssyncset.s32 $0xFFFFF086  }
0x25: {  	[simem:s6], [sflag:s4] =	dma.local [hbm:s3], $0xF7A  }
0x26: {  	[smem:$0x3F9B] =	sst s1;
	(tag) =	ssettag s2;
	_ =	strace s9  }
0x27: {  	s1 =	sld [smem:$0x3FAB]  }
0x28: {  	s2 =	sld [smem:$0x3FAC]  }
0x29: {  	s4 =	sld [smem:$0x3FAE]  }
0x2a: {  	p0 =	seq.s32 s5, $0x0;
	s5 =	sld [smem:$0x3FAF]  }
0x2b: {  	s6 =	sld [smem:$0x3FB0]  }
0x2c: {  	s7 =	sld [smem:$0x3FB1]  }
0x2d: {  	s3 =	simm.s32 $0x108;
	s8 =	sld [smem:$0x3FB2]  }
0x2e: {  	s3 =	simm.s32 @!p0 $0x1082;
	s9 =	sld [smem:$0x3FB3]  }
0x2f: {  	lr =	sadd.s32 s0, s3;
	s0 =	sld [smem:$0x3FAA]  }
0x30: {  	s3 =	sld [smem:$0x3FAD]  }
0x31: {  	[smem:$0x3FB6] =	sst s10  }
0x32: {  	s10 =	sld [smem:$0x3FB4];
	_ =	sdelay $0x3  }
0x33: {  	p0 =	seq.s32 s10, $0x1;
	s10 =	sld [smem:$0x3FB6];
	_ =	sdelay $0x3  }
0x34: {  	[smem:$0x3FB6] =	sst s10  }
0x35: {  	s10 =	sld [smem:$0x3FB5];
	_ =	sdelay $0x3  }
0x36: {  	p1 =	seq.s32 s10, $0x1;
	s10 =	sld [smem:$0x3FB6];
	_ =	sdelay $0x3  }
0x37: {  	[smem:$0x3FB6] =	sst s10  }
0x38: {  	s10 =	sld [smem:$0x3FB7]  }
0x39: {  	_ = 	snop;
	(pc) =	sbr.ind lr, $3  }
0x3a: {  	_ = 	snop  }
0x3b: {  	_ = 	snop  }
0x3c: {  	p2 =	seq.s32 s10, $0x1;
	s10 =	sld [smem:$0x3FB6]  }
0x3d: {  	_ =	shalt  }
0x3e: {  	_ =	shalt  }
0x3f: {  	_ =	shalt  }
0x40: {  	_ =	shalt  }
0x41: {  	_ =	shalt  }
0x42: {  	_ =	shalt  }
0x43: {  	_ =	shalt  }
0x44: {  	_ =	shalt  }
0x45: {  	_ =	shalt  }
0x46: {  	_ =	shalt  }
0x47: {  	_ =	shalt  }
0x48: {  	_ =	shalt  }
0x49: {  	_ =	shalt  }
0x4a: {  	_ =	shalt  }
0x4b: {  	_ =	shalt  }
0x4c: {  	_ =	shalt  }
0x4d: {  	_ =	shalt  }
0x4e: {  	_ =	shalt  }
0x4f: {  	_ =	shalt  }
0x50: {  	_ =	shalt  }
0x51: {  	_ =	shalt  }
0x52: {  	_ =	shalt  }
0x53: {  	_ =	shalt  }
0x54: {  	_ =	shalt  }
0x55: {  	_ =	shalt  }
0x56: {  	_ =	shalt  }
0x57: {  	_ =	shalt  }
0x58: {  	_ =	shalt  }
0x59: {  	_ =	shalt  }
0x5a: {  	_ =	shalt  }
0x5b: {  	_ =	shalt  }
0x5c: {  	_ =	shalt  }
0x5d: {  	_ =	shalt  }
0x5e: {  	_ =	shalt  }
0x5f: {  	_ =	shalt  }
0x60: {  	_ =	shalt  }
0x61: {  	_ =	shalt  }
0x62: {  	_ =	shalt  }
0x63: {  	_ =	shalt  }
0x64: {  	_ =	shalt  }
0x65: {  	_ =	shalt  }
0x66: {  	_ =	shalt  }
0x67: {  	_ =	shalt  }
0x68: {  	_ =	shalt  }
0x69: {  	_ =	shalt  }
0x6a: {  	_ =	shalt  }
0x6b: {  	_ =	shalt  }
0x6c: {  	_ =	shalt  }
0x6d: {  	_ =	shalt  }
0x6e: {  	_ =	shalt  }
0x6f: {  	_ =	shalt  }
0x70: {  	_ =	shalt  }
0x71: {  	_ =	shalt  }
0x72: {  	_ =	shalt  }
0x73: {  	_ =	shalt  }
0x74: {  	_ =	shalt  }
0x75: {  	_ =	shalt  }
0x76: {  	_ =	shalt  }
0x77: {  	_ =	shalt  }
0x78: {  	_ =	shalt  }
0x79: {  	_ =	shalt  }
0x7a: {  	_ =	shalt  }
0x7b: {  	_ =	shalt  }
0x7c: {  	_ =	shalt  }
0x7d: {  	_ =	shalt  }
0x7e: {  	_ =	shalt  }
0x7f: {  	_ =	shalt  }
0x80: {  	_ =	shalt  }
0x81: {  	_ =	shalt  }
0x82: {  	_ =	shalt  }
0x83: {  	_ =	shalt  }
0x84: {  	_ =	shalt  }
0x85: {  	_ =	shalt  }
0x86: {  	_ =	shalt  }
0x87: {  	_ =	shalt  }
.Lfunc_end0:
.L_simem_size_0:
called_computation_lowered:
.L_overlay_start_0:
0x88: {  	s2 =	sld [smem:$0x3FD9]  }
0x89: {  	s3 =	sld [smem:$0x3FFE];
	_ =	sdelay $0x1  }
0x8a: {  	s1 =	srdreg.scid  }
0x8b: {  	s0 =	sand.u32 $0x1, s1  }
0x8c: {  	s17 =	sshll.u32 s0, $0xA;
	s2 =	sadd.s32 s3, s2  }
0x8d: {  	s2 =	sadd.s32 s2, s17  }
0x8e: {  	[smem:$0x3FC2] =	sst s2  }
0x8f: {  	_ = 	snop  }
0x90: {  	s2 =	sld [smem:$0x3FC9]  }
0x91: {  	s18 =	sld [smem:$0x3FD0];
	(tm) =	ssettm $0x1  }
0x92: {  	s4 =	sld [smem:$0x3FFB];
	_ =	sdelay $0x3  }
0x93: {  	_ =	strace s4  }
0x94: {  	s4 =	sld [smem:$0x3FFC];
	_ =	sdelay $0x3  }
0x95: {  	_ =	strace s4  }
0x96: {  	s4 =	sld [smem:$0x3FFD];
	_ =	sdelay $0x3  }
0x97: {  	_ =	strace s4  }
0x98: {  	_ =	strace $0x8FFFFFFF  }
0x99: {  	s19 =	sld [smem:$0x3FDB];
	_ =	sdelay $0x1  }
0x9a: {  	s5 =	simm.s32 $_scs_section_size  }
0x9b: {  	s6 =	simm.s32 $_size__tile_overlayer_lowered;
	s7 =	simm.s32 $_tile_overlayer_lowered  }
0x9c: {  	s22 =	simm.s32 $0x1BFF;
	s21 =	sshll.u32 s7, $0x1;
	s4 =	sadd.s32 s5, s19  }
0x9d: {  	s8 =	simm.s32 $0x0;
	s20 =	sshll.u32 s6, $0x1;
	s6 =	sadd.s32 s21, s4  }
0x9e: {  	[timem:s8], [sflag:s22] =	dma.local [hbm:s6], s20  }
0x9f: {  	_ =	swait.ge [sflag:s22], s20  }
0xa0: {  	s5 =	ssub.s32 $0x0, s20;
	[sflag:s22] =	ssyncset.done $0x0  }
0xa1: {  	[sflag:s22] =	ssyncadd.s32 s5;
	_ =	sdelay $0x1  }
0xa2: {  	s23 =	simm.s32 $0x1B8B  }
0xa3: {  	_ =	swait.ge [sflag:s23], $0x1  }
0xa4: {  	[sflag:s23] =	ssyncset.done $0x0  }
0xa5: {  	s25 =	simm.s32 $0x1B8E;
	s24 =	sld [smem:$0x3FFE];
	[sflag:s23] =	ssyncadd.s32 $0xFFFFFFFF  }
0xa6: {  	s26 =	simm.s32 $execute0_lowered;
	[smem:$0x3FD2] =	sst s25  }
0xa7: {  	s6 =	sshll.u32 s26, $0x1;
	_ =	strace $0x80000046;
	[dreg:$0x1] =	wrdreg $0xFFFFFFFF  }
0xa8: {  	s28 =	simm.s32 $_size_execute0_lowered;
	s4 =	sadd.s32 s4, s6;
	[dreg:$0x0] =	wrdreg $0x0  }
0xa9: {  	s6 =	sshll.u32 s28, $0x1;
	[dreg:$0x2] =	wrdreg s4  }
0xaa: {  	[dreg:$0x3] =	wrdreg s6  }
0xab: {  	[dreg:$0x4] =	wrdreg $0xC0  }
0xac: {  	_ =	task [dreg:s8], $0x5FFFF  }
0xad: {  	[dreg:$0x1] =	wrdreg $0xFFFFFFFF  }
0xae: {  	[dreg:$0x0] =	wrdreg $0x60  }
0xaf: {  	[dreg:$0x2] =	wrdreg s2  }
0xb0: {  	[dreg:$0x3] =	wrdreg s24  }
0xb1: {  	[dreg:$0x4] =	wrdreg s18  }
0xb2: {  	[dreg:$0x5] =	wrdreg $0x9  }
0xb3: {  	_ =	task.clear_ibuf [dreg:s8], $0x6FFFF;
	_ =	strace $0x90000046  }
0xb4: {  	s29 =	simm.s32 $0x9;
	_ =	strace $0x80000048  }
0xb5: {  	_ =	swait.ge [sflag:s29], $0x1  }
0xb6: {  	[sflag:s29] =	ssyncadd.s32 $0xFFFFFFFF  }
0xb7: {  	_ =	strace $0x90000048  }
0xb8: {  	_ =	sfence  }
0xb9: {  	s30 =	sld [smem:$0x0];
	_ =	sdelay $0x2  }
0xba: {  	s31 =	sshll.u32 s1, $0xD;
	s1 =	sshrl.u32 s1, $0x2  }
0xbb: {  	s3 =	sand.u32 $0x4000, s31;
	s1 =	sadd.s32 s1, s30  }
0xbc: {  	s0 =	sor.u32 s3, s0;
	s1 =	sshll.u32 s1, $0x11  }
0xbd: {  	s0 =	sor.u32 s1, s0  }
0xbe: {  	s0 =	sadd.s32 $0x8F2B, s0  }
0xbf: {  	[sflag:s0] =	ssyncadd.remote.s32 $0x1  }
0xc0: {  	_ =	sfence.sel $0xFFFF  }
0xc1: {  	[dreg:$0x0] =	wrdreg $0xFFFFFFFF;
	(pc) =	sbr.abs _section_cstart, $3  }
0xc2: {  	[dreg:$0x1] =	wrdreg $0xFFFFFFFF  }
0xc3: {  	_ =	task.clear_ibuf [dreg:s8], $0x2FFFF;
	_ =	strace $0x9FFFFFFF  }
0xc4: {  	(tm) =	ssettm $0x7FFFFFFF  }
0xc5: {  	_ =	shalt  }
tec
execute0_lowered:
.L_overlay_start_1:
0x0: {  	(tag) =	ssettag $0x1  }
0x1: {  	s1 =	rddreg [dreg:$0x0]  }
0x2: {  	s0 =	rddreg [dreg:$0x1]  }
0x3: {  	s2 =	srdreg.scid;
	s3 =	stileid.u32;
	s4 =	simm.s32 $0x0  }
0x4: {  	s26 =	simm.s32 $0x1D600;
	s28 =	simm.s32 $0x2;
	s31 =	simm.s32 $0x18700  }
0x5: {  	s2 =	sand.u32 $0x1, s2;
	s3 =	sshll.u32 s3, $0x1;
	[smem:$0x7FF] =	sst s4  }
0x6: {  	s5 =	sadd.s32 $0x400, s0;
	s3 =	sor.u32 s2, s3;
	s2 =	ssub.s32 $0x2, s2  }
0x7: {  	s6 =	sadd.s32 $0xC3A00, s0;
	s7 =	smul.u32 $0x18700, s3;
	s30 =	sshrl.u32 s2, $0x1  }
0x8: {  	_ =	strace $0x80000047;
	[dreg:$0x4] =	wrdreg s6;
	s2 =	ssub.s32 s2, s30  }
0x9: {  	s8 =	sshrl.u32 s7, $0x3;
	s7 =	sadd.s32 $0xC3C00, s0;
	s25 =	smax.u32 s2, $0x1  }
0xa: {  	s2 =	simm.s32 $0x1AE80;
	s0 =	sadd.s32 s8, s0;
	s8 =	smul.u32 $0x30D40, s3  }
0xb: {  	v0 =	vlaneseq.u32;
	v1 =	vimm.f32 $0.0e+00;
	s3 =	simm.s32 $0x0;
	s9 =	sadd.s32 $0xC3E00, s0;
	s10 =	sadd.s32 $0xC410E, s0  }
0xc: {  	vm1 =	vcmask $0xB08;
	vm2 =	vcmask $0xF0C;
	vm3 =	vcmask $0x1310;
	s11 =	sadd.s32 $0xC441C, s0;
	s12 =	sadd.s32 $0xC472A, s0;
	s13 =	sadd.s32 $0xC4A38, s0  }
0xd: {  	vm4 =	vcmask $0x1714;
	vm5 =	vcmask $0x1B18;
	vm6 =	vcmask $0x1F1C;
	s14 =	sadd.s32 $0xC4D46, s0;
	s15 =	sadd.s32 $0xC5054, s0;
	s16 =	sadd.s32 $0xC5362, s0  }
0xe: {  	vm7 =	vcmask $0x2320;
	vm8 =	vcmask $0x2724;
	vm9 =	vcmask $0x2B28;
	s17 =	sadd.s32 $0xC5670, s0;
	s18 =	sadd.s32 $0xC597E, s0;
	s19 =	sadd.s32 $0xC5C8C, s0  }
0xf: {  	vm10 =	vcmask $0x2F2C;
	vm11 =	vcmask $0x3330;
	vm12 =	vcmask $0x3734;
	s20 =	sadd.s32 $0xC5F9A, s0;
	s21 =	sadd.s32 $0xC62A8, s0;
	s22 =	sadd.s32 $0xC65B6, s0  }
0x10: {  	vm13 =	vcmask $0x3B38;
	vm14 =	vcmask $0x3F3C;
	v2 =	vmul.u32 $0x271, v0;
	s23 =	sadd.s32 $0xC68C4, s0;
	s24 =	sadd.s32 $0xC6BD2, s0;
	s0 =	simm.s32 $0x1  }
.LBB2_1:
0x11: {  	s6 =	rddreg [dreg:$0x2]  }
0x12: {  	[tilespmem:s26], [sflag:$0x2] =	stream.linear.gather [hbm4b:s6+s4], $0x680, $0x38;
	[tilespmem:$0x1DD80] =	vst v63  }
0x13: {  	_ =	swait.ge [sflag:s28], $0x680  }
0x14: {  	[sflag:s28] =	ssyncset.done $0x0  }
0x15: {  	s29 =	simm.s32 $0x1DC80;
	s6 =	rddreg [dreg:$0x4];
	[sflag:s28] =	ssyncadd.s32 $0xFFFFF980  }
0x16: {  	[tilespmem:s29], [sflag:$0x2] =	stream.linear.gather [hbm4b:s6+s4], $0x80, $0x38;
	[tilespmem:$0x1DD80] =	vst v63  }
0x17: {  	_ =	swait.ge [sflag:s28], $0x80  }
0x18: {  	[sflag:s28] =	ssyncset.done $0x0  }
0x19: {  	s6 =	simm.s32 $0x1DD00;
	[sflag:s28] =	ssyncadd.s32 $0xFFFFFF80  }
0x1a: {  	[tilespmem:s6], [sflag:$0x2] =	stream.linear.gather [hbm4b:s7+s4], $0x80, $0x38;
	[tilespmem:$0x1DD80] =	vst v63  }
0x1b: {  	_ =	swait.ge [sflag:s28], $0x80  }
0x1c: {  	[sflag:s28] =	ssyncset.done $0x0  }
0x1d: {  	[sflag:s28] =	ssyncadd.s32 $0xFFFFFF80  }
0x1e: {  	v3 =	vld [tilespmem:$0x1DC80]  }
0x1f: {  	s30 =	simm.s32 $0x400;
	s29 =	simm.s32 $0x0;
	v4 =	vld [tilespmem:$0x1DD00]  }
.LBB2_2:
0x20: {  	p0 =	sne.s32 s30, $0x61800;
	[tilespmem:s29+$0xF0] =	vst v1  }
0x21: {  	[tilespmem:s29+$0x0] =	vst v1  }
0x22: {  	[tilespmem:s29+$0x10] =	vst v1  }
0x23: {  	[tilespmem:s29+$0x20] =	vst v1  }
0x24: {  	[tilespmem:s29+$0x30] =	vst v1  }
0x25: {  	[tilespmem:s29+$0x40] =	vst v1  }
0x26: {  	[tilespmem:s29+$0x50] =	vst v1  }
0x27: {  	[tilespmem:s29+$0x60] =	vst v1  }
0x28: {  	[tilespmem:s29+$0x70] =	vst v1  }
0x29: {  	[tilespmem:s29+$0x80] =	vst v1  }
0x2a: {  	[tilespmem:s29+$0x90] =	vst v1  }
.Ltmp0:
0x2b: {  	[tilespmem:s29+$0xA0] =	vst v1;
	(pc) =	sbr.rel @p0 .LBB2_2-.Ltmp0, $4  }
0x2c: {  	[tilespmem:s29+$0xB0] =	vst v1  }
0x2d: {  	[tilespmem:s29+$0xC0] =	vst v1  }
0x2e: {  	[tilespmem:s29+$0xD0] =	vst v1  }
0x2f: {  	[tilespmem:s29+$0xE0] =	vst v1;
	s29 =	sshra.s32 s30, $0x2;
	s30 =	sadd.s32 $0x400, s30  }
0x30: {  	[tilespmem:s29+$0xF0] =	vst v1  }
0x31: {  	[tilespmem:s29+$0x0] =	vst v1  }
0x32: {  	[tilespmem:s29+$0x10] =	vst v1  }
0x33: {  	[tilespmem:s29+$0x20] =	vst v1  }
0x34: {  	[tilespmem:s29+$0x30] =	vst v1  }
0x35: {  	[tilespmem:s29+$0x40] =	vst v1  }
0x36: {  	[tilespmem:s29+$0x50] =	vst v1  }
0x37: {  	[tilespmem:s29+$0x60] =	vst v1  }
0x38: {  	[tilespmem:s29+$0x70] =	vst v1  }
0x39: {  	[tilespmem:s29+$0x80] =	vst v1  }
0x3a: {  	[tilespmem:s29+$0x90] =	vst v1  }
0x3b: {  	[tilespmem:s29+$0xA0] =	vst v1  }
0x3c: {  	[tilespmem:s29+$0xB0] =	vst v1  }
0x3d: {  	[tilespmem:s29+$0xC0] =	vst v1  }
0x3e: {  	[tilespmem:s29+$0xD0] =	vst v1  }
0x3f: {  	[tilespmem:s29+$0xE0] =	vst v1;
	s29 =	simm.s32 $0x0  }
.LBB2_4:
0x40: {  	s30 =	smul.u32 $0x2710, s29;
	_ =	sdelay $0x1  }
0x41: {  	s30 =	sadd.s32 s8, s30  }
0x42: {  	s30 =	sshrl.u32 s30, $0x3  }
0x43: {  	s6 =	sadd.s32 s1, s30  }
0x44: {  	[tilespmem:s31], [sflag:$0x1] =	stream.linear.gather [hbm4b:s6+s4], $0x2710, $0x38;
	[tilespmem:$0x1DD80] =	vst v63  }
0x45: {  	s6 =	sadd.s32 s5, s30  }
0x46: {  	[tilespmem:s2], [sflag:$0x1] =	stream.linear.gather [hbm4b:s6+s4], $0x2710, $0x38;
	[tilespmem:$0x1DD80] =	vst v63  }
0x47: {  	_ =	swait.ge [sflag:s0], $0x2710  }
0x48: {  	[sflag:s0] =	ssyncset.done $0x0  }
0x49: {  	[sflag:s0] =	ssyncadd.s32 $0xFFFFD8F0  }
0x4a: {  	_ =	swait.ge [sflag:s0], $0x2710  }
0x4b: {  	[sflag:s0] =	ssyncset.done $0x0  }
0x4c: {  	[sflag:s0] =	ssyncadd.s32 $0xFFFFD8F0  }
0x4d: {  	v5 =	vld.idx.msk [tilespmem:v2+s2+$0x0], $0xffff;
	_ =	sdelay $0x4  }
0x4e: {  	v7 =	vimm.f32 $0.0e+00;
	s30 =	simm.s32 $0x7D;
	v6 =	vshra.s32 v5, $0xB;
	v5 =	vmov v2  }
.LBB2_5:
0x4f: {  	_ =	sdelay $0x3  }
0x50: {  	v8 =	vld.idx.msk [tilespmem:v5+s2+$0x0], $0xffff;
	_ =	sdelay $0x4  }
0x51: {  	v9 =	vshra.s32 v8, $0xB;
	v8 =	vand.u32 $0x7FF, v8  }
0x52: {  	v8 =	vadd.s32 v0, v8;
	vm15 =	vne.s32 v9, v6;
	_ =	sdelay $0x1  }
0x53: {  	v10 =	vadd.s32 $0x1, v5;
	_ =	sdelay $0x1  }
0x54: {  	v11 =	vld.idx.msk [tilespmem:v5+s31+$0x0], $0xffff  }
0x55: {  	v8 =	vld.idx.msk [tilespmem:v8+s26+$0x0], $0xffff  }
0x56: {  	[tilespmem:v6+s4+$0x0] =	vst.idx.add.f32.msk vm15, v7  }
0x57: {  	v6 =	vld.idx.msk [tilespmem:v10+s2+$0x0], $0xffff;
	_ =	sdelay $0x3  }
0x58: {  	v11 =	vmul.f32 v11, v3  }
0x59: {  	v12 =	vshra.s32 v6, $0xB;
	v6 =	vand.u32 $0x7FF, v6  }
0x5a: {  	v11 =	vadd.f32 v11, v4;
	v6 =	vadd.s32 v0, v6;
	vm0 =	vne.s32 v12, v9;
	_ =	sdelay $0x1  }
0x5b: {  	v56 =	vadd.s32 $0x2, v5;
	v8 =	vadd.f32 v11, v8  }
0x5c: {  	v7 =	vsel vm15, $0x0, v7  }
0x5d: {  	v7 =	vadd.f32 v8, v7;
	v8 =	vld.idx.msk [tilespmem:v10+s31+$0x0], $0xffff  }
0x5e: {  	v6 =	vld.idx.msk [tilespmem:v6+s26+$0x0], $0xffff  }
0x5f: {  	[tilespmem:v9+s4+$0x0] =	vst.idx.add.f32.msk vm0, v7  }
0x60: {  	v9 =	vld.idx.msk [tilespmem:v56+s2+$0x0], $0xffff;
	_ =	sdelay $0x3  }
0x61: {  	v8 =	vmul.f32 v8, v3  }
0x62: {  	v57 =	vshra.s32 v9, $0xB;
	v9 =	vand.u32 $0x7FF, v9  }
0x63: {  	v8 =	vadd.f32 v8, v4;
	v9 =	vadd.s32 v0, v9;
	vm15 =	vne.s32 v57, v12;
	_ =	sdelay $0x1  }
0x64: {  	v6 =	vadd.f32 v8, v6;
	v8 =	vadd.s32 $0x3, v5  }
0x65: {  	v7 =	vsel vm0, $0x0, v7  }
0x66: {  	v6 =	vadd.f32 v6, v7;
	v7 =	vld.idx.msk [tilespmem:v56+s31+$0x0], $0xffff  }
0x67: {  	v9 =	vld.idx.msk [tilespmem:v9+s26+$0x0], $0xffff  }
0x68: {  	[tilespmem:v12+s4+$0x0] =	vst.idx.add.f32.msk vm15, v6  }
0x69: {  	v58 =	vld.idx.msk [tilespmem:v8+s2+$0x0], $0xffff;
	_ =	sdelay $0x3  }
0x6a: {  	v7 =	vmul.f32 v7, v3  }
0x6b: {  	v59 =	vshra.s32 v58, $0xB;
	v11 =	vand.u32 $0x7FF, v58  }
0x6c: {  	v7 =	vadd.f32 v7, v4;
	v11 =	vadd.s32 v0, v11;
	vm0 =	vne.s32 v59, v57;
	_ =	sdelay $0x1  }
0x6d: {  	v60 =	vadd.s32 $0x4, v5;
	v7 =	vadd.f32 v7, v9  }
0x6e: {  	v6 =	vsel vm15, $0x0, v6  }
0x6f: {  	v7 =	vadd.f32 v7, v6;
	v6 =	vld.idx.msk [tilespmem:v8+s31+$0x0], $0xffff  }
0x70: {  	v8 =	vld.idx.msk [tilespmem:v11+s26+$0x0], $0xffff  }
0x71: {  	[tilespmem:v57+s4+$0x0] =	vst.idx.add.f32.msk vm0, v7  }
0x72: {  	v10 =	vld.idx.msk [tilespmem:v60+s2+$0x0], $0xffff;
	_ =	sdelay $0x4  }
0x73: {  	v61 =	vand.u32 $0x7FF, v10  }
0x74: {  	v11 =	vadd.s32 v0, v61  }
0x75: {  	v9 =	vld.idx.msk [tilespmem:v60+s31+$0x0], $0xffff;
	_ =	sdelay $0x1  }
0x76: {  	v6 =	vmul.f32 v6, v3;
	_ =	sdelay $0x1  }
0x77: {  	v13 =	vadd.f32 v6, v4;
	v6 =	vshra.s32 v10, $0xB;
	v62 =	vld.idx.msk [tilespmem:v11+s26+$0x0], $0xffff  }
0x78: {  	v9 =	vmul.f32 v9, v3;
	vm15 =	vne.s32 v6, v59  }
0x79: {  	p0 =	sne.s32 s30, $0x1;
	v8 =	vadd.f32 v13, v8  }
.Ltmp1:
0x7a: {  	v7 =	vsel vm0, $0x0, v7;
	v9 =	vadd.f32 v9, v4;
	(pc) =	sbr.rel @p0 .LBB2_5-.Ltmp1, $4  }
0x7b: {  	v7 =	vadd.f32 v8, v7  }
0x7c: {  	v8 =	vadd.f32 v9, v62  }
0x7d: {  	v63 =	vsel vm15, $0x0, v7  }
0x7e: {  	s30 =	sadd.s32 $0xFFFFFFFF, s30;
	v5 =	vadd.s32 $0x5, v5;
	[tilespmem:v59+s4+$0x0] =	vst.idx.add.f32.msk vm15, v7;
	v7 =	vadd.f32 v8, v63  }
0x7f: {  	vm0 =	vcmask $0x704;
	_ =	sdelay $0x4  }
0x80: {  	[tilespmem:v6+s4+$0x0] =	vst.idx.add.f32.msk $0x1, v7  }
0x81: {  	[tilespmem:v6+s4+$0x0] =	vst.idx.add.f32.msk vm0, v7  }
0x82: {  	[tilespmem:v6+s4+$0x0] =	vst.idx.add.f32.msk vm1, v7  }
0x83: {  	[tilespmem:v6+s4+$0x0] =	vst.idx.add.f32.msk vm2, v7  }
0x84: {  	[tilespmem:v6+s4+$0x0] =	vst.idx.add.f32.msk vm3, v7  }
0x85: {  	[tilespmem:v6+s4+$0x0] =	vst.idx.add.f32.msk vm4, v7  }
0x86: {  	[tilespmem:v6+s4+$0x0] =	vst.idx.add.f32.msk vm5, v7  }
0x87: {  	[tilespmem:v6+s4+$0x0] =	vst.idx.add.f32.msk vm6, v7  }
0x88: {  	[tilespmem:v6+s4+$0x0] =	vst.idx.add.f32.msk vm7, v7  }
0x89: {  	s29 =	sadd.s32 $0x1, s29;
	[tilespmem:v6+s4+$0x0] =	vst.idx.add.f32.msk vm8, v7  }
0x8a: {  	p0 =	sne.s32 s29, $0x14;
	[tilespmem:v6+s4+$0x0] =	vst.idx.add.f32.msk vm9, v7  }
.Ltmp2:
0x8b: {  	[tilespmem:v6+s4+$0x0] =	vst.idx.add.f32.msk vm10, v7;
	(pc) =	sbr.rel @p0 .LBB2_4-.Ltmp2, $4  }
0x8c: {  	[tilespmem:v6+s4+$0x0] =	vst.idx.add.f32.msk vm11, v7  }
0x8d: {  	[tilespmem:v6+s4+$0x0] =	vst.idx.add.f32.msk vm12, v7  }
0x8e: {  	[tilespmem:v6+s4+$0x0] =	vst.idx.add.f32.msk vm13, v7  }
0x8f: {  	[tilespmem:v6+s4+$0x0] =	vst.idx.add.f32.msk vm14, v7  }
0x90: {  	[hbm4b:s9+s4] =	stream.linear.scatter [tilespmem:s4], [sflag:$0x1], $0x1870, $0x38;
	[tilespmem:$0x1DD80] =	vst v63  }
0x91: {  	s6 =	simm.s32 $0x1870  }
0x92: {  	[hbm4b:s10+s4] =	stream.linear.scatter [tilespmem:s6], [sflag:$0x1], $0x1870, $0x38;
	[tilespmem:$0x1DD80] =	vst v63  }
0x93: {  	s29 =	simm.s32 $0x30E0  }
0x94: {  	[hbm4b:s11+s4] =	stream.linear.scatter [tilespmem:s29], [sflag:$0x1], $0x1870, $0x38;
	[tilespmem:$0x1DD80] =	vst v63  }
0x95: {  	s30 =	simm.s32 $0x4950  }
0x96: {  	[hbm4b:s12+s4] =	stream.linear.scatter [tilespmem:s30], [sflag:$0x1], $0x1870, $0x38;
	[tilespmem:$0x1DD80] =	vst v63  }
0x97: {  	s29 =	simm.s32 $0x61C0  }
0x98: {  	[hbm4b:s13+s4] =	stream.linear.scatter [tilespmem:s29], [sflag:$0x1], $0x1870, $0x38;
	[tilespmem:$0x1DD80] =	vst v63  }
0x99: {  	s30 =	simm.s32 $0x7A30  }
0x9a: {  	[hbm4b:s14+s4] =	stream.linear.scatter [tilespmem:s30], [sflag:$0x1], $0x1870, $0x38;
	[tilespmem:$0x1DD80] =	vst v63  }
0x9b: {  	s29 =	simm.s32 $0x92A0  }
0x9c: {  	[hbm4b:s15+s4] =	stream.linear.scatter [tilespmem:s29], [sflag:$0x1], $0x1870, $0x38;
	[tilespmem:$0x1DD80] =	vst v63  }
0x9d: {  	s30 =	simm.s32 $0xAB10  }
0x9e: {  	[hbm4b:s16+s4] =	stream.linear.scatter [tilespmem:s30], [sflag:$0x1], $0x1870, $0x38;
	[tilespmem:$0x1DD80] =	vst v63  }
0x9f: {  	s29 =	simm.s32 $0xC380  }
0xa0: {  	[hbm4b:s17+s4] =	stream.linear.scatter [tilespmem:s29], [sflag:$0x1], $0x1870, $0x38;
	[tilespmem:$0x1DD80] =	vst v63  }
0xa1: {  	s30 =	simm.s32 $0xDBF0  }
0xa2: {  	[hbm4b:s18+s4] =	stream.linear.scatter [tilespmem:s30], [sflag:$0x1], $0x1870, $0x38;
	[tilespmem:$0x1DD80] =	vst v63  }
0xa3: {  	s29 =	simm.s32 $0xF460  }
0xa4: {  	[hbm4b:s19+s4] =	stream.linear.scatter [tilespmem:s29], [sflag:$0x1], $0x1870, $0x38;
	[tilespmem:$0x1DD80] =	vst v63  }
0xa5: {  	s30 =	simm.s32 $0x10CD0  }
0xa6: {  	[hbm4b:s20+s4] =	stream.linear.scatter [tilespmem:s30], [sflag:$0x1], $0x1870, $0x38;
	[tilespmem:$0x1DD80] =	vst v63  }
0xa7: {  	s29 =	simm.s32 $0x12540  }
0xa8: {  	[hbm4b:s21+s4] =	stream.linear.scatter [tilespmem:s29], [sflag:$0x1], $0x1870, $0x38;
	[tilespmem:$0x1DD80] =	vst v63  }
0xa9: {  	s30 =	simm.s32 $0x13DB0  }
0xaa: {  	[hbm4b:s22+s4] =	stream.linear.scatter [tilespmem:s30], [sflag:$0x1], $0x1870, $0x38;
	[tilespmem:$0x1DD80] =	vst v63  }
0xab: {  	s29 =	simm.s32 $0x15620  }
0xac: {  	[hbm4b:s23+s4] =	stream.linear.scatter [tilespmem:s29], [sflag:$0x1], $0x1870, $0x38;
	[tilespmem:$0x1DD80] =	vst v63  }
0xad: {  	s30 =	simm.s32 $0x16E90  }
0xae: {  	[hbm4b:s24+s4] =	stream.linear.scatter [tilespmem:s30], [sflag:$0x1], $0x1870, $0x38;
	[tilespmem:$0x1DD80] =	vst v63  }
0xaf: {  	_ =	swait.ge [sflag:s0], $0x1870  }
0xb0: {  	[sflag:s0] =	ssyncset.done $0x0  }
0xb1: {  	[sflag:s0] =	ssyncadd.s32 $0xFFFFE790  }
0xb2: {  	_ =	swait.ge [sflag:s0], $0x1870  }
0xb3: {  	[sflag:s0] =	ssyncset.done $0x0  }
0xb4: {  	[sflag:s0] =	ssyncadd.s32 $0xFFFFE790  }
0xb5: {  	_ =	swait.ge [sflag:s0], $0x1870  }
0xb6: {  	[sflag:s0] =	ssyncset.done $0x0  }
0xb7: {  	[sflag:s0] =	ssyncadd.s32 $0xFFFFE790  }
0xb8: {  	_ =	swait.ge [sflag:s0], $0x1870  }
0xb9: {  	[sflag:s0] =	ssyncset.done $0x0  }
0xba: {  	[sflag:s0] =	ssyncadd.s32 $0xFFFFE790  }
0xbb: {  	_ =	swait.ge [sflag:s0], $0x1870  }
0xbc: {  	[sflag:s0] =	ssyncset.done $0x0  }
0xbd: {  	[sflag:s0] =	ssyncadd.s32 $0xFFFFE790  }
0xbe: {  	_ =	swait.ge [sflag:s0], $0x1870  }
0xbf: {  	[sflag:s0] =	ssyncset.done $0x0  }
0xc0: {  	[sflag:s0] =	ssyncadd.s32 $0xFFFFE790  }
0xc1: {  	_ =	swait.ge [sflag:s0], $0x1870  }
0xc2: {  	[sflag:s0] =	ssyncset.done $0x0  }
0xc3: {  	[sflag:s0] =	ssyncadd.s32 $0xFFFFE790  }
0xc4: {  	_ =	swait.ge [sflag:s0], $0x1870  }
0xc5: {  	[sflag:s0] =	ssyncset.done $0x0  }
0xc6: {  	[sflag:s0] =	ssyncadd.s32 $0xFFFFE790  }
0xc7: {  	_ =	swait.ge [sflag:s0], $0x1870  }
0xc8: {  	[sflag:s0] =	ssyncset.done $0x0  }
0xc9: {  	[sflag:s0] =	ssyncadd.s32 $0xFFFFE790  }
0xca: {  	_ =	swait.ge [sflag:s0], $0x1870  }
0xcb: {  	[sflag:s0] =	ssyncset.done $0x0  }
0xcc: {  	[sflag:s0] =	ssyncadd.s32 $0xFFFFE790  }
0xcd: {  	_ =	swait.ge [sflag:s0], $0x1870  }
0xce: {  	[sflag:s0] =	ssyncset.done $0x0  }
0xcf: {  	[sflag:s0] =	ssyncadd.s32 $0xFFFFE790  }
0xd0: {  	_ =	swait.ge [sflag:s0], $0x1870  }
0xd1: {  	[sflag:s0] =	ssyncset.done $0x0  }
0xd2: {  	[sflag:s0] =	ssyncadd.s32 $0xFFFFE790  }
0xd3: {  	_ =	swait.ge [sflag:s0], $0x1870  }
0xd4: {  	[sflag:s0] =	ssyncset.done $0x0  }
0xd5: {  	[sflag:s0] =	ssyncadd.s32 $0xFFFFE790  }
0xd6: {  	_ =	swait.ge [sflag:s0], $0x1870  }
0xd7: {  	[sflag:s0] =	ssyncset.done $0x0  }
0xd8: {  	s3 =	sadd.s32 $0x1, s3;
	[sflag:s0] =	ssyncadd.s32 $0xFFFFE790  }
0xd9: {  	p0 =	sne.s32 s3, s25;
	_ =	swait.ge [sflag:s0], $0x1870  }
.Ltmp3:
0xda: {  	[sflag:s0] =	ssyncset.done $0x0;
	(pc) =	sbr.rel @p0 .LBB2_1-.Ltmp3, $4  }
0xdb: {  	[sflag:s0] =	ssyncadd.s32 $0xFFFFE790  }
0xdc: {  	_ =	swait.ge [sflag:s0], $0x1870  }
0xdd: {  	[sflag:s0] =	ssyncset.done $0x0  }
0xde: {  	[sflag:s0] =	ssyncadd.s32 $0xFFFFE790  }
0xdf: {  	_ =	sfence.sel $0x180000  }
0xe0: {  	[bflag:$0x0] =	sbarrier.arrive $0xFFFF  }
0xe1: {  	_ =	strace $0x90000047  }
0xe2: {  	s0 =	stileid.u32;
	[bflag:$0x2] =	sbarrier.arrive $0xFFFF  }
0xe3: {  	p0 =	sne.s32 s0, $0x0;
	s0 =	rddreg [dreg:$0x3]  }
0xe4: {  	s0 =	sadd.s32 @!p0 $0x100000, s0  }
0xe5: {  	[sflag:s0] =	ssyncadd.tile.s32 @!p0 $0x1;
	_ =	shalt  }
.Lfunc_end2:
_tile_overlayer_lowered:
.L_overlay_start_2:
0xe6: {  	(tag) =	ssettag $0x2  }
0xe7: {  	s0 =	rddreg [dreg:$0x0];
	s2 =	stileid.u32  }
0xe8: {  	s1 =	rddreg [dreg:$0x1];
	p0 =	sne.s32 s2, $0x0  }
0xe9: {  	s3 =	rddreg [dreg:$0x2];
	[bflag:$0x3] =	sbarrier.arrive $0xFFFF;
	s2 =	simm.s32 @!p0 $0x1C02  }
0xea: {  	[timem:s3], [sflag:s2] =	dma.local @!p0 [hbm:s0], s1  }
0xeb: {  	s0 =	simm.s32 @!p0 $0x2  }
0xec: {  	_ =	swait.ge @!p0 [sflag:s0], s1  }
0xed: {  	s1 =	ssub.s32 @!p0 $0x0, s1;
	[sflag:s0] =	ssyncset.done @!p0 $0x0  }
0xee: {  	[sflag:s0] =	ssyncadd.s32 @!p0 s1  }
0xef: {  	[bflag:$0x3] =	sbarrier.arrive $0xFFFF  }
0xf0: {  	_ =	shalt  }

</sc_bundles>
